<compile_context>
chip_gen: v7x
topology: tpu7x:2x2x1
jax: 0.10.2.dev20260603
libtpu: 0.0.44.dev20260713+nightly
codegen_flags: <defaults>
</compile_context>

<pallas_src>
import functools

import jax
import jax.numpy as jnp
from jax import lax
from jax.experimental import pallas as pl
from jax.experimental.pallas import tpu as pltpu
from jax.experimental.pallas import tpu_sc as plsc

B = 128
G = 978
E = 4
J = 512
DRUG = 128
CELL = 50
DOSE = 128
SC_L = 16


def _enc_kernel(x_ref, d_ref, drug_ref,
                cw1_ref, cb1_ref, cw2_ref, cb2_ref, cw3_ref, cb3_ref,
                dw1_ref, db1_ref, dw2_ref, db2_ref,
                g1d_ref, g1c_ref, g1s_ref, gb1_ref, gw2_ref, gb2_ref,
                cellT_ref, doseT_ref, logitsT_ref):
    f32 = jnp.float32
    dot01 = lambda a, b: lax.dot_general(a, b, (((0,), (1,)), ((), ())),
                                         preferred_element_type=f32)
    dot00 = lambda a, b: lax.dot_general(a, b, (((0,), (0,)), ((), ())),
                                         preferred_element_type=f32)
    relu = lambda v: jnp.maximum(v, 0.0)

    h = relu(dot01(cw1_ref[...], x_ref[...]) + cb1_ref[...])
    h = relu(dot00(cw2_ref[...], h) + cb2_ref[...])
    cellT = relu(dot00(cw3_ref[...], h) + cb3_ref[...])
    cellT_ref[...] = cellT

    hd = relu(dot01(dw1_ref[...], d_ref[...]) + db1_ref[...])
    doseT = relu(dot00(dw2_ref[...], hd) + db2_ref[...])
    doseT_ref[...] = doseT

    hg = relu(dot01(g1d_ref[...], drug_ref[...]) + dot00(g1c_ref[...], cellT)
              + dot00(g1s_ref[...], doseT) + gb1_ref[...])
    logitsT_ref[...] = dot00(gw2_ref[...], hg) + gb2_ref[...]


def _route_sc(logitsT):
    i32 = jnp.int32
    f32 = jnp.float32
    mesh = plsc.VectorSubcoreMesh(core_axis_name="c", subcore_axis_name="s")

    @functools.partial(
        pl.kernel,
        out_type=(jax.ShapeDtypeStruct((E, B), f32),
                  jax.ShapeDtypeStruct((2, B), i32)),
        mesh=mesh,
        scratch_types=[pltpu.VMEM((E, B), f32),
                       pltpu.VMEM((E, B), f32),
                       pltpu.VMEM((2, B), i32)],
    )
    def route(lg_hbm, gates_hbm, idx_hbm, lg_v, gates_v, idx_v):
        cid = lax.axis_index("c")
        sid = lax.axis_index("s")

        @pl.when(jnp.logical_and(cid == 0, sid == 0))
        def _():
            pltpu.sync_copy(lg_hbm, lg_v)
            c0 = jnp.full((SC_L,), 0, i32)
            c1 = jnp.full((SC_L,), 1, i32)
            c2 = jnp.full((SC_L,), 2, i32)
            c3 = jnp.full((SC_L,), 3, i32)
            cs = (c0, c1, c2, c3)
            neg = jnp.full((SC_L,), -1e30, f32)
            zero = jnp.zeros((SC_L,), f32)
            one = jnp.full((SC_L,), 1.0, f32)
            for c in range(B // SC_L):
                sl = pl.ds(c * SC_L, SC_L)
                l = [lg_v[e, sl] for e in range(E)]
                v1 = jnp.maximum(jnp.maximum(l[0], l[1]),
                                 jnp.maximum(l[2], l[3]))
                i1 = jnp.where(l[0] == v1, c0,
                               jnp.where(l[1] == v1, c1,
                                         jnp.where(l[2] == v1, c2, c3)))
                m = [jnp.where(i1 == cs[e], neg, l[e]) for e in range(E)]
                v2 = jnp.maximum(jnp.maximum(m[0], m[1]),
                                 jnp.maximum(m[2], m[3]))
                i2 = jnp.where(m[0] == v2, c0,
                               jnp.where(m[1] == v2, c1,
                                         jnp.where(m[2] == v2, c2, c3)))
                e2 = jnp.exp(v2 - v1)
                den = one + e2
                g1 = one / den
                g2 = e2 / den
                for e in range(E):
                    gates_v[e, sl] = (jnp.where(cs[e] == i1, g1, zero)
                                      + jnp.where(cs[e] == i2, g2, zero))
                idx_v[0, sl] = i1
                idx_v[1, sl] = i2
            pltpu.sync_copy(gates_v, gates_hbm)
            pltpu.sync_copy(idx_v, idx_hbm)

    return route(logitsT)


def _tail_kernel(idx_ref, gates_ref, cellT_ref, doseT_ref, drug_ref,
                 gt_ref, td_ref, tc_ref, ts_ref, b1_ref,
                 cw_ref, m_ref, b2_ref,
                 preds_ref,
                 at_ref, ct_ref, wp_ref, bias_ref):
    f32 = jnp.float32
    bf16 = jnp.bfloat16
    dot01 = lambda a, b: lax.dot_general(a, b, (((0,), (1,)), ((), ())),
                                         preferred_element_type=f32)
    dot00 = lambda a, b: lax.dot_general(a, b, (((0,), (0,)), ((), ())),
                                         preferred_element_type=f32)
    dotr = lambda a, b: lax.dot_general(a, b, (((1,), (0,)), ((), ())),
                                        preferred_element_type=f32)
    relu = lambda v: jnp.maximum(v, 0.0)

    gatesT = gates_ref[...]
    at_ref[...] = (dot01(td_ref[...], drug_ref[...])
                   + dot00(tc_ref[...], cellT_ref[...])
                   + dot00(ts_ref[...], doseT_ref[...]) + b1_ref[...])
    ct_ref[...] = dot01(cw_ref[...], gt_ref[...]).astype(bf16)
    wp_ref[...] = dot00(gatesT, m_ref[...])
    bias_ref[...] = dot00(gatesT, b2_ref[...])

    def body(b, carry):
        i1 = idx_ref[0, b]
        i2 = idx_ref[1, b]
        o1 = pl.multiple_of(i1 * 128, 128)
        o2 = pl.multiple_of(i2 * 128, 128)
        sh = B - b
        a1 = pltpu.roll(at_ref[pl.ds(o1, 128), :], sh, 1)[:, 0:1].astype(bf16)
        a2 = pltpu.roll(at_ref[pl.ds(o2, 128), :], sh, 1)[:, 0:1].astype(bf16)
        r1 = relu(ct_ref[pl.ds(o1, 128), :] + a1)
        r2 = relu(ct_ref[pl.ds(o2, 128), :] + a2)
        w_row = wp_ref[pl.ds(b, 1), :].astype(bf16)
        w1 = pltpu.roll(w_row, J - i1 * 128, 1)[:, 0:128]
        w2 = pltpu.roll(w_row, J - i2 * 128, 1)[:, 0:128]
        s = dotr(w1, r1) + dotr(w2, r2)
        preds_ref[pl.ds(b, 1), :] = s + bias_ref[pl.ds(b, 1), :]
        return carry

    lax.fori_loop(0, B, body, 0, unroll=2)


def kernel(drug_embed, input_cell_gex, input_pert_idose,
           ce_w1, ce_b1, ce_w2, ce_b2, ce_w3, ce_b3,
           de_w1, de_b1, de_w2, de_b2,
           gene_table,
           g_w1, g_b1, g_w2, g_b2,
           ex_w1, ex_b1, ex_w2, ex_b2):
    f32 = jnp.float32
    col = lambda v: v[:, None]

    w1_top = jnp.transpose(ex_w1[:, :DRUG + CELL + DOSE, :], (1, 0, 2)).reshape(306, J)
    w1_bot = jnp.transpose(ex_w1[:, DRUG + CELL + DOSE:, :], (1, 0, 2)).reshape(128, J)
    b1_all = ex_b1.reshape(J)
    w2 = ex_w2[:, :, 0]
    m = jnp.zeros((E, J), f32)
    m = lax.dynamic_update_slice(m, w2[0:1], (0, 0))
    m = lax.dynamic_update_slice(m, w2[1:2], (1, 128))
    m = lax.dynamic_update_slice(m, w2[2:3], (2, 256))
    m = lax.dynamic_update_slice(m, w2[3:4], (3, 384))
    b2c = ex_b2[:, 0][:, None]

    cellT, doseT, logitsT = pl.pallas_call(
        _enc_kernel,
        out_shape=(
            jax.ShapeDtypeStruct((CELL, B), f32),
            jax.ShapeDtypeStruct((DOSE, B), f32),
            jax.ShapeDtypeStruct((E, B), f32),
        ),
    )(input_cell_gex, input_pert_idose, drug_embed,
      ce_w1, col(ce_b1), ce_w2, col(ce_b2), ce_w3, col(ce_b3),
      de_w1, col(de_b1), de_w2, col(de_b2),
      g_w1[:DRUG], g_w1[DRUG:DRUG + CELL], g_w1[DRUG + CELL:], col(g_b1),
      g_w2, col(g_b2))

    gates, idx = _route_sc(logitsT)

    preds = pl.pallas_call(
        _tail_kernel,
        in_specs=[pl.BlockSpec(memory_space=pltpu.SMEM)]
        + [pl.BlockSpec(memory_space=pltpu.VMEM)] * 12,
        out_shape=jax.ShapeDtypeStruct((B, G), f32),
        scratch_shapes=[
            pltpu.VMEM((J, B), f32),
            pltpu.VMEM((J, G), jnp.bfloat16),
            pltpu.VMEM((B, J), f32),
            pltpu.VMEM((B, 1), f32),
        ],
    )(idx, gates, cellT, doseT, drug_embed, gene_table,
      w1_top[:DRUG], w1_top[DRUG:DRUG + CELL], w1_top[DRUG + CELL:],
      col(b1_all), w1_bot, m, b2c)

    return preds, jnp.transpose(cellT)

# --- scband reference (transcript-rebuilt; emitter-appended) ---
"""Pipeline reference for scband-multi-dcp-che-mo-e-2250562863546 (READ-ONLY COPY).

The authoritative reference and input builder live on the scoring server;
editing this copy changes nothing except your own understanding.
"""

import jax, jax.numpy as jnp
import numpy as np

B = 128
G = 978
DCELL = 978
DDOSE = 6
E = 4
TOPK = 2
DRUG = 128
GENE = 128
CELL = 50
DOSE = 128
GLOBAL = DRUG + CELL + DOSE  # 306
EXPIN = GLOBAL + GENE        # 434


def setup_inputs(seed: int = 0) -> dict:
    key = jax.random.key(seed)
    ks = jax.random.split(key, 24)
    n = lambda k, s: jax.random.normal(k, s, dtype=jnp.float32)
    w = lambda k, s: jax.random.normal(k, s, dtype=jnp.float32) * 0.05
    return {
        "drug_embed": n(ks[0], (B, DRUG)),
        "input_cell_gex": n(ks[1], (B, DCELL)),
        "input_pert_idose": jax.random.uniform(ks[2], (B, DDOSE), dtype=jnp.float32),
        # LinearEncoder (cell): 978 -> 200 -> 100 -> 50
        "ce_w1": w(ks[3], (DCELL, 200)), "ce_b1": jnp.zeros((200,), jnp.float32),
        "ce_w2": w(ks[4], (200, 100)),   "ce_b2": jnp.zeros((100,), jnp.float32),
        "ce_w3": w(ks[5], (100, CELL)),  "ce_b3": jnp.zeros((CELL,), jnp.float32),
        # DoseEncoder: 6 -> 64 -> 128
        "de_w1": w(ks[6], (DDOSE, 64)),  "de_b1": jnp.zeros((64,), jnp.float32),
        "de_w2": w(ks[7], (64, DOSE)),   "de_b2": jnp.zeros((DOSE,), jnp.float32),
        # gene index embedding table
        "gene_table": w(ks[8], (G, GENE)),
        # GatingNetwork: 306 -> 128 -> 4
        "g_w1": w(ks[9], (GLOBAL, 128)), "g_b1": jnp.zeros((128,), jnp.float32),
        "g_w2": w(ks[10], (128, E)),     "g_b2": jnp.zeros((E,), jnp.float32),
        # E expert MLPs (stacked): 434 -> 128 -> 1
        "ex_w1": w(ks[11], (E, EXPIN, 128)), "ex_b1": jnp.zeros((E, 128), jnp.float32),
        "ex_w2": w(ks[12], (E, 128, 1)),     "ex_b2": jnp.zeros((E, 1), jnp.float32),
    }


def reference(drug_embed, input_cell_gex, input_pert_idose,
              ce_w1, ce_b1, ce_w2, ce_b2, ce_w3, ce_b3,
              de_w1, de_b1, de_w2, de_b2,
              gene_table,
              g_w1, g_b1, g_w2, g_b2,
              ex_w1, ex_b1, ex_w2, ex_b2):
    relu = jax.nn.relu
    b = drug_embed.shape[0]
    # cell encoder (dropout = identity in eval)
    cell_hidden = relu(relu(relu(input_cell_gex @ ce_w1 + ce_b1) @ ce_w2 + ce_b2) @ ce_w3 + ce_b3)
    # dose encoder
    dose_embed = relu(relu(input_pert_idose @ de_w1 + de_b1) @ de_w2 + de_b2)
    # global features [B, 306]
    global_feat = jnp.concatenate([drug_embed, cell_hidden, dose_embed], axis=-1)
    # gating: top-k sparse gates
    logits = relu(global_feat @ g_w1 + g_b1) @ g_w2 + g_b2
    top_v, top_i = jax.lax.top_k(logits, TOPK)
    top_g = jax.nn.softmax(top_v, axis=1)
    gates = jnp.zeros_like(logits).at[jnp.arange(b)[:, None], top_i].set(top_g)
    # gene embedding lookup via arange indices
    gene_idx = jnp.arange(G)
    gene_embed = jnp.take(gene_table, gene_idx, axis=0)  # [G, 128]
    gene_exp = jnp.broadcast_to(gene_embed[None, :, :], (b, G, gene_embed.shape[-1]))
    glob_exp = jnp.broadcast_to(global_feat[:, None, :], (b, G, global_feat.shape[-1]))
    feats = jnp.concatenate([glob_exp, gene_exp], axis=-1)  # [B, G, 434]
    # run all experts, weight by sparse gates
    outs = []
    for e in range(E):
        h = relu(feats @ ex_w1[e] + ex_b1[e])
        outs.append((h @ ex_w2[e] + ex_b2[e])[..., 0])  # [B, G]
    expert_out = jnp.stack(outs, axis=1)  # [B, E, G]
    preds = jnp.einsum('be,beg->bg', gates, expert_out)  # [B, G]
    return preds, cell_hidden

if __name__ == "__main__":
    import jax
    _d = setup_inputs()
    print(jax.jit(kernel)(*tuple(_d.values())))

</pallas_src>

<mosaic_0001>
#map = affine_map<(d0, d1) -> (0, 0)>
module attributes {stable_mosaic.version = 14 : i64} {
  func.func @route(%arg0: i32, %arg1: i32, %arg2: memref<4x128xf32, #tpu.memory_space<hbm>>, %arg3: memref<4x128xf32, #tpu.memory_space<hbm>>, %arg4: memref<2x128xi32, #tpu.memory_space<hbm>>, %arg5: memref<4x128xf32, #tpu.memory_space<vmem>>, %arg6: memref<4x128xf32, #tpu.memory_space<vmem>>, %arg7: memref<2x128xi32, #tpu.memory_space<vmem>>) attributes {dimension_semantics = [#tpu.dimension_semantics<core_parallel>, #tpu.dimension_semantics<subcore_parallel>], iteration_bounds = array<i64: 2, 16>, scalar_prefetch = 0 : i64, scratch_operands = 3 : i64, tpu.core_type = #tpu.core_type<sc_vector_subcore>, window_params = [{transform_indices = #map}, {transform_indices = #map}, {transform_indices = #map}]} {
    %eq3A = arith.constant 0 : i32
    %eq3A_0 = arith.cmpi eq, %arg0, %eq3A : i32
    %eq3A_1 = arith.constant 0 : i32
    %eq3A_2 = arith.cmpi eq, %arg1, %eq3A_1 : i32
    %and3A = arith.andi %eq3A_0, %eq3A_2 : i1
    %convert_element_type3A = arith.extui %and3A : i1 to i32
    %cond3A = arith.constant 0 : i32
    %cond3A_3 = arith.cmpi ne, %convert_element_type3A, %cond3A : i32
    scf.if %cond3A_3 {
      "tpu.region"() ({
        %run_scoped3A = tpu.sem_alloc : memref<!tpu.dma_semaphore, #tpu.memory_space<semaphore_mem>>
        tpu.enqueue_dma source(%arg2 : memref<4x128xf32, #tpu.memory_space<hbm>>) target(%arg5 : memref<4x128xf32, #tpu.memory_space<vmem>>) target_semaphore(%run_scoped3A : memref<!tpu.dma_semaphore, #tpu.memory_space<semaphore_mem>>)
        tpu.wait_dma2 semaphore(%run_scoped3A : memref<!tpu.dma_semaphore, #tpu.memory_space<semaphore_mem>>) src(%arg2 : memref<4x128xf32, #tpu.memory_space<hbm>>) dst(%arg5 : memref<4x128xf32, #tpu.memory_space<vmem>>)
        tpu.yield
      }) : () -> ()
      %broadcast_in_dim3A = arith.constant 0 : i32
      %broadcast_in_dim3A_4 = vector.broadcast %broadcast_in_dim3A : i32 to vector<16xi32>
      %broadcast_in_dim3A_5 = arith.constant 1 : i32
      %broadcast_in_dim3A_6 = vector.broadcast %broadcast_in_dim3A_5 : i32 to vector<16xi32>
      %broadcast_in_dim3A_7 = arith.constant 2 : i32
      %broadcast_in_dim3A_8 = vector.broadcast %broadcast_in_dim3A_7 : i32 to vector<16xi32>
      %broadcast_in_dim3A_9 = arith.constant 3 : i32
      %broadcast_in_dim3A_10 = vector.broadcast %broadcast_in_dim3A_9 : i32 to vector<16xi32>
      %broadcast_in_dim3A_11 = arith.constant -1.000000e+30 : f32
      %broadcast_in_dim3A_12 = vector.broadcast %broadcast_in_dim3A_11 : f32 to vector<16xf32>
      %broadcast_in_dim3A_13 = arith.constant 0.000000e+00 : f32
      %broadcast_in_dim3A_14 = vector.broadcast %broadcast_in_dim3A_13 : f32 to vector<16xf32>
      %broadcast_in_dim3A_15 = arith.constant 1.000000e+00 : f32
      %broadcast_in_dim3A_16 = vector.broadcast %broadcast_in_dim3A_15 : f32 to vector<16xf32>
      %get3A = arith.constant 0 : i32
      %get3A_17 = arith.index_cast %get3A : i32 to index
      %get3A_18 = arith.constant 0 : index
      %get3A_19 = tpu.vector_load %arg5[%get3A_17, %get3A_18] {strides = array<i32>} : memref<4x128xf32, #tpu.memory_space<vmem>>, vector<1x16xf32>,
      %get3A_20 = vector.shape_cast %get3A_19 : vector<1x16xf32> to vector<16xf32>
      %get3A_21 = arith.constant 1 : i32
      %get3A_22 = arith.index_cast %get3A_21 : i32 to index
      %get3A_23 = arith.constant 0 : index
      %get3A_24 = tpu.vector_load %arg5[%get3A_22, %get3A_23] {strides = array<i32>} : memref<4x128xf32, #tpu.memory_space<vmem>>, vector<1x16xf32>,
      %get3A_25 = vector.shape_cast %get3A_24 : vector<1x16xf32> to vector<16xf32>
      %get3A_26 = arith.constant 2 : i32
      %get3A_27 = arith.index_cast %get3A_26 : i32 to index
      %get3A_28 = arith.constant 0 : index
      %get3A_29 = tpu.vector_load %arg5[%get3A_27, %get3A_28] {strides = array<i32>} : memref<4x128xf32, #tpu.memory_space<vmem>>, vector<1x16xf32>,
      %get3A_30 = vector.shape_cast %get3A_29 : vector<1x16xf32> to vector<16xf32>
      %get3A_31 = arith.constant 3 : i32
      %get3A_32 = arith.index_cast %get3A_31 : i32 to index
      %get3A_33 = arith.constant 0 : index
      %get3A_34 = tpu.vector_load %arg5[%get3A_32, %get3A_33] {strides = array<i32>} : memref<4x128xf32, #tpu.memory_space<vmem>>, vector<1x16xf32>,
      %get3A_35 = vector.shape_cast %get3A_34 : vector<1x16xf32> to vector<16xf32>
      %max3A = arith.maximumf %get3A_20, %get3A_25 : vector<16xf32>
      %max3A_36 = arith.maximumf %get3A_30, %get3A_35 : vector<16xf32>
      %max3A_37 = arith.maximumf %max3A, %max3A_36 : vector<16xf32>
      %eq3A_38 = arith.cmpf oeq, %get3A_20, %max3A_37 : vector<16xf32>
      %eq3A_39 = arith.cmpf oeq, %get3A_25, %max3A_37 : vector<16xf32>
      %eq3A_40 = arith.cmpf oeq, %get3A_30, %max3A_37 : vector<16xf32>
      %select_n3A = arith.select %eq3A_40, %broadcast_in_dim3A_8, %broadcast_in_dim3A_10 : vector<16xi1>, vector<16xi32>
      %select_n3A_41 = arith.select %eq3A_39, %broadcast_in_dim3A_6, %select_n3A : vector<16xi1>, vector<16xi32>
      %select_n3A_42 = arith.select %eq3A_38, %broadcast_in_dim3A_4, %select_n3A_41 : vector<16xi1>, vector<16xi32>
      %eq3A_43 = arith.cmpi eq, %select_n3A_42, %broadcast_in_dim3A_4 : vector<16xi32>
      %select_n3A_44 = arith.select %eq3A_43, %broadcast_in_dim3A_12, %get3A_20 : vector<16xi1>, vector<16xf32>
      %eq3A_45 = arith.cmpi eq, %select_n3A_42, %broadcast_in_dim3A_6 : vector<16xi32>
      %select_n3A_46 = arith.select %eq3A_45, %broadcast_in_dim3A_12, %get3A_25 : vector<16xi1>, vector<16xf32>
      %eq3A_47 = arith.cmpi eq, %select_n3A_42, %broadcast_in_dim3A_8 : vector<16xi32>
      %select_n3A_48 = arith.select %eq3A_47, %broadcast_in_dim3A_12, %get3A_30 : vector<16xi1>, vector<16xf32>
      %eq3A_49 = arith.cmpi eq, %select_n3A_42, %broadcast_in_dim3A_10 : vector<16xi32>
      %select_n3A_50 = arith.select %eq3A_49, %broadcast_in_dim3A_12, %get3A_35 : vector<16xi1>, vector<16xf32>
      %max3A_51 = arith.maximumf %select_n3A_44, %select_n3A_46 : vector<16xf32>
      %max3A_52 = arith.maximumf %select_n3A_48, %select_n3A_50 : vector<16xf32>
      %max3A_53 = arith.maximumf %max3A_51, %max3A_52 : vector<16xf32>
      %eq3A_54 = arith.cmpf oeq, %select_n3A_44, %max3A_53 : vector<16xf32>
      %eq3A_55 = arith.cmpf oeq, %select_n3A_46, %max3A_53 : vector<16xf32>
      %eq3A_56 = arith.cmpf oeq, %select_n3A_48, %max3A_53 : vector<16xf32>
      %select_n3A_57 = arith.select %eq3A_56, %broadcast_in_dim3A_8, %broadcast_in_dim3A_10 : vector<16xi1>, vector<16xi32>
      %select_n3A_58 = arith.select %eq3A_55, %broadcast_in_dim3A_6, %select_n3A_57 : vector<16xi1>, vector<16xi32>
      %select_n3A_59 = arith.select %eq3A_54, %broadcast_in_dim3A_4, %select_n3A_58 : vector<16xi1>, vector<16xi32>
      %sub3A = arith.subf %max3A_53, %max3A_37 : vector<16xf32>
      %exp3A = math.exp %sub3A : vector<16xf32>
      %add3A = arith.addf %broadcast_in_dim3A_16, %exp3A : vector<16xf32>
      %div3A = arith.divf %broadcast_in_dim3A_16, %add3A : vector<16xf32>
      %div3A_60 = arith.divf %exp3A, %add3A : vector<16xf32>
      %eq3A_61 = arith.cmpi eq, %broadcast_in_dim3A_4, %select_n3A_42 : vector<16xi32>
      %select_n3A_62 = arith.select %eq3A_61, %div3A, %broadcast_in_dim3A_14 : vector<16xi1>, vector<16xf32>
      %eq3A_63 = arith.cmpi eq, %broadcast_in_dim3A_4, %select_n3A_59 : vector<16xi32>
      %select_n3A_64 = arith.select %eq3A_63, %div3A_60, %broadcast_in_dim3A_14 : vector<16xi1>, vector<16xf32>
      %add3A_65 = arith.addf %select_n3A_62, %select_n3A_64 : vector<16xf32>
      %swap3A = arith.constant 0 : i32
      %swap3A_66 = arith.index_cast %swap3A : i32 to index
      %swap3A_67 = arith.constant 0 : index
      %swap3A_68 = tpu.vector_load %arg6[%swap3A_66, %swap3A_67] {strides = array<i32>} : memref<4x128xf32, #tpu.memory_space<vmem>>, vector<1x16xf32>,
      %swap3A_69 = vector.shape_cast %swap3A_68 : vector<1x16xf32> to vector<16xf32>
      %swap3A_70 = vector.shape_cast %add3A_65 : vector<16xf32> to vector<1x16xf32>
      tpu.vector_store %arg6[%swap3A_66, %swap3A_67], %swap3A_70 {strides = array<i32>} : memref<4x128xf32, #tpu.memory_space<vmem>>, vector<1x16xf32>,
      %eq3A_71 = arith.cmpi eq, %broadcast_in_dim3A_6, %select_n3A_42 : vector<16xi32>
      %select_n3A_72 = arith.select %eq3A_71, %div3A, %broadcast_in_dim3A_14 : vector<16xi1>, vector<16xf32>
      %eq3A_73 = arith.cmpi eq, %broadcast_in_dim3A_6, %select_n3A_59 : vector<16xi32>
      %select_n3A_74 = arith.select %eq3A_73, %div3A_60, %broadcast_in_dim3A_14 : vector<16xi1>, vector<16xf32>
      %add3A_75 = arith.addf %select_n3A_72, %select_n3A_74 : vector<16xf32>
      %swap3A_76 = arith.constant 1 : i32
      %swap3A_77 = arith.index_cast %swap3A_76 : i32 to index
      %swap3A_78 = arith.constant 0 : index
      %swap3A_79 = tpu.vector_load %arg6[%swap3A_77, %swap3A_78] {strides = array<i32>} : memref<4x128xf32, #tpu.memory_space<vmem>>, vector<1x16xf32>,
      %swap3A_80 = vector.shape_cast %swap3A_79 : vector<1x16xf32> to vector<16xf32>
      %swap3A_81 = vector.shape_cast %add3A_75 : vector<16xf32> to vector<1x16xf32>
      tpu.vector_store %arg6[%swap3A_77, %swap3A_78], %swap3A_81 {strides = array<i32>} : memref<4x128xf32, #tpu.memory_space<vmem>>, vector<1x16xf32>,
      %eq3A_82 = arith.cmpi eq, %broadcast_in_dim3A_8, %select_n3A_42 : vector<16xi32>
      %select_n3A_83 = arith.select %eq3A_82, %div3A, %broadcast_in_dim3A_14 : vector<16xi1>, vector<16xf32>
      %eq3A_84 = arith.cmpi eq, %broadcast_in_dim3A_8, %select_n3A_59 : vector<16xi32>
      %select_n3A_85 = arith.select %eq3A_84, %div3A_60, %broadcast_in_dim3A_14 : vector<16xi1>, vector<16xf32>
      %add3A_86 = arith.addf %select_n3A_83, %select_n3A_85 : vector<16xf32>
      %swap3A_87 = arith.constant 2 : i32
      %swap3A_88 = arith.index_cast %swap3A_87 : i32 to index
      %swap3A_89 = arith.constant 0 : index
      %swap3A_90 = tpu.vector_load %arg6[%swap3A_88, %swap3A_89] {strides = array<i32>} : memref<4x128xf32, #tpu.memory_space<vmem>>, vector<1x16xf32>,
      %swap3A_91 = vector.shape_cast %swap3A_90 : vector<1x16xf32> to vector<16xf32>
      %swap3A_92 = vector.shape_cast %add3A_86 : vector<16xf32> to vector<1x16xf32>
      tpu.vector_store %arg6[%swap3A_88, %swap3A_89], %swap3A_92 {strides = array<i32>} : memref<4x128xf32, #tpu.memory_space<vmem>>, vector<1x16xf32>,
      %eq3A_93 = arith.cmpi eq, %broadcast_in_dim3A_10, %select_n3A_42 : vector<16xi32>
      %select_n3A_94 = arith.select %eq3A_93, %div3A, %broadcast_in_dim3A_14 : vector<16xi1>, vector<16xf32>
      %eq3A_95 = arith.cmpi eq, %broadcast_in_dim3A_10, %select_n3A_59 : vector<16xi32>
      %select_n3A_96 = arith.select %eq3A_95, %div3A_60, %broadcast_in_dim3A_14 : vector<16xi1>, vector<16xf32>
      %add3A_97 = arith.addf %select_n3A_94, %select_n3A_96 : vector<16xf32>
      %swap3A_98 = arith.constant 3 : i32
      %swap3A_99 = arith.index_cast %swap3A_98 : i32 to index
      %swap3A_100 = arith.constant 0 : index
      %swap3A_101 = tpu.vector_load %arg6[%swap3A_99, %swap3A_100] {strides = array<i32>} : memref<4x128xf32, #tpu.memory_space<vmem>>, vector<1x16xf32>,
      %swap3A_102 = vector.shape_cast %swap3A_101 : vector<1x16xf32> to vector<16xf32>
      %swap3A_103 = vector.shape_cast %add3A_97 : vector<16xf32> to vector<1x16xf32>
      tpu.vector_store %arg6[%swap3A_99, %swap3A_100], %swap3A_103 {strides = array<i32>} : memref<4x128xf32, #tpu.memory_space<vmem>>, vector<1x16xf32>,
      %swap3A_104 = arith.constant 0 : i32
      %swap3A_105 = arith.index_cast %swap3A_104 : i32 to index
      %swap3A_106 = arith.constant 0 : index
      %swap3A_107 = tpu.vector_load %arg7[%swap3A_105, %swap3A_106] {strides = array<i32>} : memref<2x128xi32, #tpu.memory_space<vmem>>, vector<1x16xi32>,
      %swap3A_108 = vector.shape_cast %swap3A_107 : vector<1x16xi32> to vector<16xi32>
      %swap3A_109 = vector.shape_cast %select_n3A_42 : vector<16xi32> to vector<1x16xi32>
      tpu.vector_store %arg7[%swap3A_105, %swap3A_106], %swap3A_109 {strides = array<i32>} : memref<2x128xi32, #tpu.memory_space<vmem>>, vector<1x16xi32>,
      %swap3A_110 = arith.constant 1 : i32
      %swap3A_111 = arith.index_cast %swap3A_110 : i32 to index
      %swap3A_112 = arith.constant 0 : index
      %swap3A_113 = tpu.vector_load %arg7[%swap3A_111, %swap3A_112] {strides = array<i32>} : memref<2x128xi32, #tpu.memory_space<vmem>>, vector<1x16xi32>,
      %swap3A_114 = vector.shape_cast %swap3A_113 : vector<1x16xi32> to vector<16xi32>
      %swap3A_115 = vector.shape_cast %select_n3A_59 : vector<16xi32> to vector<1x16xi32>
      tpu.vector_store %arg7[%swap3A_111, %swap3A_112], %swap3A_115 {strides = array<i32>} : memref<2x128xi32, #tpu.memory_space<vmem>>, vector<1x16xi32>,
      %get3A_116 = arith.constant 0 : i32
      %get3A_117 = arith.index_cast %get3A_116 : i32 to index
      %get3A_118 = arith.constant 16 : index
      %get3A_119 = tpu.vector_load %arg5[%get3A_117, %get3A_118] {strides = array<i32>} : memref<4x128xf32, #tpu.memory_space<vmem>>, vector<1x16xf32>,
      %get3A_120 = vector.shape_cast %get3A_119 : vector<1x16xf32> to vector<16xf32>
      %get3A_121 = arith.constant 1 : i32
      %get3A_122 = arith.index_cast %get3A_121 : i32 to index
      %get3A_123 = arith.constant 16 : index
      %get3A_124 = tpu.vector_load %arg5[%get3A_122, %get3A_123] {strides = array<i32>} : memref<4x128xf32, #tpu.memory_space<vmem>>, vector<1x16xf32>,
      %get3A_125 = vector.shape_cast %get3A_124 : vector<1x16xf32> to vector<16xf32>
      %get3A_126 = arith.constant 2 : i32
      %get3A_127 = arith.index_cast %get3A_126 : i32 to index
      %get3A_128 = arith.constant 16 : index
      %get3A_129 = tpu.vector_load %arg5[%get3A_127, %get3A_128] {strides = array<i32>} : memref<4x128xf32, #tpu.memory_space<vmem>>, vector<1x16xf32>,
      %get3A_130 = vector.shape_cast %get3A_129 : vector<1x16xf32> to vector<16xf32>
      %get3A_131 = arith.constant 3 : i32
      %get3A_132 = arith.index_cast %get3A_131 : i32 to index
      %get3A_133 = arith.constant 16 : index
      %get3A_134 = tpu.vector_load %arg5[%get3A_132, %get3A_133] {strides = array<i32>} : memref<4x128xf32, #tpu.memory_space<vmem>>, vector<1x16xf32>,
      %get3A_135 = vector.shape_cast %get3A_134 : vector<1x16xf32> to vector<16xf32>
      %max3A_136 = arith.maximumf %get3A_120, %get3A_125 : vector<16xf32>
      %max3A_137 = arith.maximumf %get3A_130, %get3A_135 : vector<16xf32>
      %max3A_138 = arith.maximumf %max3A_136, %max3A_137 : vector<16xf32>
      %eq3A_139 = arith.cmpf oeq, %get3A_120, %max3A_138 : vector<16xf32>
      %eq3A_140 = arith.cmpf oeq, %get3A_125, %max3A_138 : vector<16xf32>
      %eq3A_141 = arith.cmpf oeq, %get3A_130, %max3A_138 : vector<16xf32>
      %select_n3A_142 = arith.select %eq3A_141, %broadcast_in_dim3A_8, %broadcast_in_dim3A_10 : vector<16xi1>, vector<16xi32>
      %select_n3A_143 = arith.select %eq3A_140, %broadcast_in_dim3A_6, %select_n3A_142 : vector<16xi1>, vector<16xi32>
      %select_n3A_144 = arith.select %eq3A_139, %broadcast_in_dim3A_4, %select_n3A_143 : vector<16xi1>, vector<16xi32>
      %eq3A_145 = arith.cmpi eq, %select_n3A_144, %broadcast_in_dim3A_4 : vector<16xi32>
      %select_n3A_146 = arith.select %eq3A_145, %broadcast_in_dim3A_12, %get3A_120 : vector<16xi1>, vector<16xf32>
      %eq3A_147 = arith.cmpi eq, %select_n3A_144, %broadcast_in_dim3A_6 : vector<16xi32>
      %select_n3A_148 = arith.select %eq3A_147, %broadcast_in_dim3A_12, %get3A_125 : vector<16xi1>, vector<16xf32>
      %eq3A_149 = arith.cmpi eq, %select_n3A_144, %broadcast_in_dim3A_8 : vector<16xi32>
      %select_n3A_150 = arith.select %eq3A_149, %broadcast_in_dim3A_12, %get3A_130 : vector<16xi1>, vector<16xf32>
      %eq3A_151 = arith.cmpi eq, %select_n3A_144, %broadcast_in_dim3A_10 : vector<16xi32>
      %select_n3A_152 = arith.select %eq3A_151, %broadcast_in_dim3A_12, %get3A_135 : vector<16xi1>, vector<16xf32>
      %max3A_153 = arith.maximumf %select_n3A_146, %select_n3A_148 : vector<16xf32>
      %max3A_154 = arith.maximumf %select_n3A_150, %select_n3A_152 : vector<16xf32>
      %max3A_155 = arith.maximumf %max3A_153, %max3A_154 : vector<16xf32>
      %eq3A_156 = arith.cmpf oeq, %select_n3A_146, %max3A_155 : vector<16xf32>
      %eq3A_157 = arith.cmpf oeq, %select_n3A_148, %max3A_155 : vector<16xf32>
      %eq3A_158 = arith.cmpf oeq, %select_n3A_150, %max3A_155 : vector<16xf32>
      %select_n3A_159 = arith.select %eq3A_158, %broadcast_in_dim3A_8, %broadcast_in_dim3A_10 : vector<16xi1>, vector<16xi32>
      %select_n3A_160 = arith.select %eq3A_157, %broadcast_in_dim3A_6, %select_n3A_159 : vector<16xi1>, vector<16xi32>
      %select_n3A_161 = arith.select %eq3A_156, %broadcast_in_dim3A_4, %select_n3A_160 : vector<16xi1>, vector<16xi32>
      %sub3A_162 = arith.subf %max3A_155, %max3A_138 : vector<16xf32>
      %exp3A_163 = math.exp %sub3A_162 : vector<16xf32>
      %add3A_164 = arith.addf %broadcast_in_dim3A_16, %exp3A_163 : vector<16xf32>
      %div3A_165 = arith.divf %broadcast_in_dim3A_16, %add3A_164 : vector<16xf32>
      %div3A_166 = arith.divf %exp3A_163, %add3A_164 : vector<16xf32>
      %eq3A_167 = arith.cmpi eq, %broadcast_in_dim3A_4, %select_n3A_144 : vector<16xi32>
      %select_n3A_168 = arith.select %eq3A_167, %div3A_165, %broadcast_in_dim3A_14 : vector<16xi1>, vector<16xf32>
      %eq3A_169 = arith.cmpi eq, %broadcast_in_dim3A_4, %select_n3A_161 : vector<16xi32>
      %select_n3A_170 = arith.select %eq3A_169, %div3A_166, %broadcast_in_dim3A_14 : vector<16xi1>, vector<16xf32>
      %add3A_171 = arith.addf %select_n3A_168, %select_n3A_170 : vector<16xf32>
      %swap3A_172 = arith.constant 0 : i32
      %swap3A_173 = arith.index_cast %swap3A_172 : i32 to index
      %swap3A_174 = arith.constant 16 : index
      %swap3A_175 = tpu.vector_load %arg6[%swap3A_173, %swap3A_174] {strides = array<i32>} : memref<4x128xf32, #tpu.memory_space<vmem>>, vector<1x16xf32>,
      %swap3A_176 = vector.shape_cast %swap3A_175 : vector<1x16xf32> to vector<16xf32>
      %swap3A_177 = vector.shape_cast %add3A_171 : vector<16xf32> to vector<1x16xf32>
      tpu.vector_store %arg6[%swap3A_173, %swap3A_174], %swap3A_177 {strides = array<i32>} : memref<4x128xf32, #tpu.memory_space<vmem>>, vector<1x16xf32>,
      %eq3A_178 = arith.cmpi eq, %broadcast_in_dim3A_6, %select_n3A_144 : vector<16xi32>
      %select_n3A_179 = arith.select %eq3A_178, %div3A_165, %broadcast_in_dim3A_14 : vector<16xi1>, vector<16xf32>
      %eq3A_180 = arith.cmpi eq, %broadcast_in_dim3A_6, %select_n3A_161 : vector<16xi32>
      %select_n3A_181 = arith.select %eq3A_180, %div3A_166, %broadcast_in_dim3A_14 : vector<16xi1>, vector<16xf32>
      %add3A_182 = arith.addf %select_n3A_179, %select_n3A_181 : vector<16xf32>
      %swap3A_183 = arith.constant 1 : i32
      %swap3A_184 = arith.index_cast %swap3A_183 : i32 to index
      %swap3A_185 = arith.constant 16 : index
      %swap3A_186 = tpu.vector_load %arg6[%swap3A_184, %swap3A_185] {strides = array<i32>} : memref<4x128xf32, #tpu.memory_space<vmem>>, vector<1x16xf32>,
      %swap3A_187 = vector.shape_cast %swap3A_186 : vector<1x16xf32> to vector<16xf32>
      %swap3A_188 = vector.shape_cast %add3A_182 : vector<16xf32> to vector<1x16xf32>
      tpu.vector_store %arg6[%swap3A_184, %swap3A_185], %swap3A_188 {strides = array<i32>} : memref<4x128xf32, #tpu.memory_space<vmem>>, vector<1x16xf32>,
      %eq3A_189 = arith.cmpi eq, %broadcast_in_dim3A_8, %select_n3A_144 : vector<16xi32>
      %select_n3A_190 = arith.select %eq3A_189, %div3A_165, %broadcast_in_dim3A_14 : vector<16xi1>, vector<16xf32>
      %eq3A_191 = arith.cmpi eq, %broadcast_in_dim3A_8, %select_n3A_161 : vector<16xi32>
      %select_n3A_192 = arith.select %eq3A_191, %div3A_166, %broadcast_in_dim3A_14 : vector<16xi1>, vector<16xf32>
      %add3A_193 = arith.addf %select_n3A_190, %select_n3A_192 : vector<16xf32>
      %swap3A_194 = arith.constant 2 : i32
      %swap3A_195 = arith.index_cast %swap3A_194 : i32 to index
      %swap3A_196 = arith.constant 16 : index
      %swap3A_197 = tpu.vector_load %arg6[%swap3A_195, %swap3A_196] {strides = array<i32>} : memref<4x128xf32, #tpu.memory_space<vmem>>, vector<1x16xf32>,
      %swap3A_198 = vector.shape_cast %swap3A_197 : vector<1x16xf32> to vector<16xf32>
      %swap3A_199 = vector.shape_cast %add3A_193 : vector<16xf32> to vector<1x16xf32>
      tpu.vector_store %arg6[%swap3A_195, %swap3A_196], %swap3A_199 {strides = array<i32>} : memref<4x128xf32, #tpu.memory_space<vmem>>, vector<1x16xf32>,
      %eq3A_200 = arith.cmpi eq, %broadcast_in_dim3A_10, %select_n3A_144 : vector<16xi32>
      %select_n3A_201 = arith.select %eq3A_200, %div3A_165, %broadcast_in_dim3A_14 : vector<16xi1>, vector<16xf32>
      %eq3A_202 = arith.cmpi eq, %broadcast_in_dim3A_10, %select_n3A_161 : vector<16xi32>
      %select_n3A_203 = arith.select %eq3A_202, %div3A_166, %broadcast_in_dim3A_14 : vector<16xi1>, vector<16xf32>
      %add3A_204 = arith.addf %select_n3A_201, %select_n3A_203 : vector<16xf32>
      %swap3A_205 = arith.constant 3 : i32
      %swap3A_206 = arith.index_cast %swap3A_205 : i32 to index
      %swap3A_207 = arith.constant 16 : index
      %swap3A_208 = tpu.vector_load %arg6[%swap3A_206, %swap3A_207] {strides = array<i32>} : memref<4x128xf32, #tpu.memory_space<vmem>>, vector<1x16xf32>,
      %swap3A_209 = vector.shape_cast %swap3A_208 : vector<1x16xf32> to vector<16xf32>
      %swap3A_210 = vector.shape_cast %add3A_204 : vector<16xf32> to vector<1x16xf32>
      tpu.vector_store %arg6[%swap3A_206, %swap3A_207], %swap3A_210 {strides = array<i32>} : memref<4x128xf32, #tpu.memory_space<vmem>>, vector<1x16xf32>,
      %swap3A_211 = arith.constant 0 : i32
      %swap3A_212 = arith.index_cast %swap3A_211 : i32 to index
      %swap3A_213 = arith.constant 16 : index
      %swap3A_214 = tpu.vector_load %arg7[%swap3A_212, %swap3A_213] {strides = array<i32>} : memref<2x128xi32, #tpu.memory_space<vmem>>, vector<1x16xi32>,
      %swap3A_215 = vector.shape_cast %swap3A_214 : vector<1x16xi32> to vector<16xi32>
      %swap3A_216 = vector.shape_cast %select_n3A_144 : vector<16xi32> to vector<1x16xi32>
      tpu.vector_store %arg7[%swap3A_212, %swap3A_213], %swap3A_216 {strides = array<i32>} : memref<2x128xi32, #tpu.memory_space<vmem>>, vector<1x16xi32>,
      %swap3A_217 = arith.constant 1 : i32
      %swap3A_218 = arith.index_cast %swap3A_217 : i32 to index
      %swap3A_219 = arith.constant 16 : index
      %swap3A_220 = tpu.vector_load %arg7[%swap3A_218, %swap3A_219] {strides = array<i32>} : memref<2x128xi32, #tpu.memory_space<vmem>>, vector<1x16xi32>,
      %swap3A_221 = vector.shape_cast %swap3A_220 : vector<1x16xi32> to vector<16xi32>
      %swap3A_222 = vector.shape_cast %select_n3A_161 : vector<16xi32> to vector<1x16xi32>
      tpu.vector_store %arg7[%swap3A_218, %swap3A_219], %swap3A_222 {strides = array<i32>} : memref<2x128xi32, #tpu.memory_space<vmem>>, vector<1x16xi32>,
      %get3A_223 = arith.constant 0 : i32
      %get3A_224 = arith.index_cast %get3A_223 : i32 to index
      %get3A_225 = arith.constant 32 : index
      %get3A_226 = tpu.vector_load %arg5[%get3A_224, %get3A_225] {strides = array<i32>} : memref<4x128xf32, #tpu.memory_space<vmem>>, vector<1x16xf32>,
      %get3A_227 = vector.shape_cast %get3A_226 : vector<1x16xf32> to vector<16xf32>
      %get3A_228 = arith.constant 1 : i32
      %get3A_229 = arith.index_cast %get3A_228 : i32 to index
      %get3A_230 = arith.constant 32 : index
      %get3A_231 = tpu.vector_load %arg5[%get3A_229, %get3A_230] {strides = array<i32>} : memref<4x128xf32, #tpu.memory_space<vmem>>, vector<1x16xf32>,
      %get3A_232 = vector.shape_cast %get3A_231 : vector<1x16xf32> to vector<16xf32>
      %get3A_233 = arith.constant 2 : i32
      %get3A_234 = arith.index_cast %get3A_233 : i32 to index
      %get3A_235 = arith.constant 32 : index
      %get3A_236 = tpu.vector_load %arg5[%get3A_234, %get3A_235] {strides = array<i32>} : memref<4x128xf32, #tpu.memory_space<vmem>>, vector<1x16xf32>,
      %get3A_237 = vector.shape_cast %get3A_236 : vector<1x16xf32> to vector<16xf32>
      %get3A_238 = arith.constant 3 : i32
      %get3A_239 = arith.index_cast %get3A_238 : i32 to index
      %get3A_240 = arith.constant 32 : index
      %get3A_241 = tpu.vector_load %arg5[%get3A_239, %get3A_240] {strides = array<i32>} : memref<4x128xf32, #tpu.memory_space<vmem>>, vector<1x16xf32>,
      %get3A_242 = vector.shape_cast %get3A_241 : vector<1x16xf32> to vector<16xf32>
      %max3A_243 = arith.maximumf %get3A_227, %get3A_232 : vector<16xf32>
      %max3A_244 = arith.maximumf %get3A_237, %get3A_242 : vector<16xf32>
      %max3A_245 = arith.maximumf %max3A_243, %max3A_244 : vector<16xf32>
      %eq3A_246 = arith.cmpf oeq, %get3A_227, %max3A_245 : vector<16xf32>
      %eq3A_247 = arith.cmpf oeq, %get3A_232, %max3A_245 : vector<16xf32>
      %eq3A_248 = arith.cmpf oeq, %get3A_237, %max3A_245 : vector<16xf32>
      %select_n3A_249 = arith.select %eq3A_248, %broadcast_in_dim3A_8, %broadcast_in_dim3A_10 : vector<16xi1>, vector<16xi32>
      %select_n3A_250 = arith.select %eq3A_247, %broadcast_in_dim3A_6, %select_n3A_249 : vector<16xi1>, vector<16xi32>
      %select_n3A_251 = arith.select %eq3A_246, %broadcast_in_dim3A_4, %select_n3A_250 : vector<16xi1>, vector<16xi32>
      %eq3A_252 = arith.cmpi eq, %select_n3A_251, %broadcast_in_dim3A_4 : vector<16xi32>
      %select_n3A_253 = arith.select %eq3A_252, %broadcast_in_dim3A_12, %get3A_227 : vector<16xi1>, vector<16xf32>
      %eq3A_254 = arith.cmpi eq, %select_n3A_251, %broadcast_in_dim3A_6 : vector<16xi32>
      %select_n3A_255 = arith.select %eq3A_254, %broadcast_in_dim3A_12, %get3A_232 : vector<16xi1>, vector<16xf32>
      %eq3A_256 = arith.cmpi eq, %select_n3A_251, %broadcast_in_dim3A_8 : vector<16xi32>
      %select_n3A_257 = arith.select %eq3A_256, %broadcast_in_dim3A_12, %get3A_237 : vector<16xi1>, vector<16xf32>
      %eq3A_258 = arith.cmpi eq, %select_n3A_251, %broadcast_in_dim3A_10 : vector<16xi32>
      %select_n3A_259 = arith.select %eq3A_258, %broadcast_in_dim3A_12, %get3A_242 : vector<16xi1>, vector<16xf32>
      %max3A_260 = arith.maximumf %select_n3A_253, %select_n3A_255 : vector<16xf32>
      %max3A_261 = arith.maximumf %select_n3A_257, %select_n3A_259 : vector<16xf32>
      %max3A_262 = arith.maximumf %max3A_260, %max3A_261 : vector<16xf32>
      %eq3A_263 = arith.cmpf oeq, %select_n3A_253, %max3A_262 : vector<16xf32>
      %eq3A_264 = arith.cmpf oeq, %select_n3A_255, %max3A_262 : vector<16xf32>
      %eq3A_265 = arith.cmpf oeq, %select_n3A_257, %max3A_262 : vector<16xf32>
      %select_n3A_266 = arith.select %eq3A_265, %broadcast_in_dim3A_8, %broadcast_in_dim3A_10 : vector<16xi1>, vector<16xi32>
      %select_n3A_267 = arith.select %eq3A_264, %broadcast_in_dim3A_6, %select_n3A_266 : vector<16xi1>, vector<16xi32>
      %select_n3A_268 = arith.select %eq3A_263, %broadcast_in_dim3A_4, %select_n3A_267 : vector<16xi1>, vector<16xi32>
      %sub3A_269 = arith.subf %max3A_262, %max3A_245 : vector<16xf32>
      %exp3A_270 = math.exp %sub3A_269 : vector<16xf32>
      %add3A_271 = arith.addf %broadcast_in_dim3A_16, %exp3A_270 : vector<16xf32>
      %div3A_272 = arith.divf %broadcast_in_dim3A_16, %add3A_271 : vector<16xf32>
      %div3A_273 = arith.divf %exp3A_270, %add3A_271 : vector<16xf32>
      %eq3A_274 = arith.cmpi eq, %broadcast_in_dim3A_4, %select_n3A_251 : vector<16xi32>
      %select_n3A_275 = arith.select %eq3A_274, %div3A_272, %broadcast_in_dim3A_14 : vector<16xi1>, vector<16xf32>
      %eq3A_276 = arith.cmpi eq, %broadcast_in_dim3A_4, %select_n3A_268 : vector<16xi32>
      %select_n3A_277 = arith.select %eq3A_276, %div3A_273, %broadcast_in_dim3A_14 : vector<16xi1>, vector<16xf32>
      %add3A_278 = arith.addf %select_n3A_275, %select_n3A_277 : vector<16xf32>
      %swap3A_279 = arith.constant 0 : i32
      %swap3A_280 = arith.index_cast %swap3A_279 : i32 to index
      %swap3A_281 = arith.constant 32 : index
      %swap3A_282 = tpu.vector_load %arg6[%swap3A_280, %swap3A_281] {strides = array<i32>} : memref<4x128xf32, #tpu.memory_space<vmem>>, vector<1x16xf32>,
      %swap3A_283 = vector.shape_cast %swap3A_282 : vector<1x16xf32> to vector<16xf32>
      %swap3A_284 = vector.shape_cast %add3A_278 : vector<16xf32> to vector<1x16xf32>
      tpu.vector_store %arg6[%swap3A_280, %swap3A_281], %swap3A_284 {strides = array<i32>} : memref<4x128xf32, #tpu.memory_space<vmem>>, vector<1x16xf32>,
      %eq3A_285 = arith.cmpi eq, %broadcast_in_dim3A_6, %select_n3A_251 : vector<16xi32>
      %select_n3A_286 = arith.select %eq3A_285, %div3A_272, %broadcast_in_dim3A_14 : vector<16xi1>, vector<16xf32>
      %eq3A_287 = arith.cmpi eq, %broadcast_in_dim3A_6, %select_n3A_268 : vector<16xi32>
      %select_n3A_288 = arith.select %eq3A_287, %div3A_273, %broadcast_in_dim3A_14 : vector<16xi1>, vector<16xf32>
      %add3A_289 = arith.addf %select_n3A_286, %select_n3A_288 : vector<16xf32>
      %swap3A_290 = arith.constant 1 : i32
      %swap3A_291 = arith.index_cast %swap3A_290 : i32 to index
      %swap3A_292 = arith.constant 32 : index
      %swap3A_293 = tpu.vector_load %arg6[%swap3A_291, %swap3A_292] {strides = array<i32>} : memref<4x128xf32, #tpu.memory_space<vmem>>, vector<1x16xf32>,
      %swap3A_294 = vector.shape_cast %swap3A_293 : vector<1x16xf32> to vector<16xf32>
      %swap3A_295 = vector.shape_cast %add3A_289 : vector<16xf32> to vector<1x16xf32>
      tpu.vector_store %arg6[%swap3A_291, %swap3A_292], %swap3A_295 {strides = array<i32>} : memref<4x128xf32, #tpu.memory_space<vmem>>, vector<1x16xf32>,
      %eq3A_296 = arith.cmpi eq, %broadcast_in_dim3A_8, %select_n3A_251 : vector<16xi32>
      %select_n3A_297 = arith.select %eq3A_296, %div3A_272, %broadcast_in_dim3A_14 : vector<16xi1>, vector<16xf32>
      %eq3A_298 = arith.cmpi eq, %broadcast_in_dim3A_8, %select_n3A_268 : vector<16xi32>
      %select_n3A_299 = arith.select %eq3A_298, %div3A_273, %broadcast_in_dim3A_14 : vector<16xi1>, vector<16xf32>
      %add3A_300 = arith.addf %select_n3A_297, %select_n3A_299 : vector<16xf32>
      %swap3A_301 = arith.constant 2 : i32
      %swap3A_302 = arith.index_cast %swap3A_301 : i32 to index
      %swap3A_303 = arith.constant 32 : index
      %swap3A_304 = tpu.vector_load %arg6[%swap3A_302, %swap3A_303] {strides = array<i32>} : memref<4x128xf32, #tpu.memory_space<vmem>>, vector<1x16xf32>,
      %swap3A_305 = vector.shape_cast %swap3A_304 : vector<1x16xf32> to vector<16xf32>
      %swap3A_306 = vector.shape_cast %add3A_300 : vector<16xf32> to vector<1x16xf32>
      tpu.vector_store %arg6[%swap3A_302, %swap3A_303], %swap3A_306 {strides = array<i32>} : memref<4x128xf32, #tpu.memory_space<vmem>>, vector<1x16xf32>,
      %eq3A_307 = arith.cmpi eq, %broadcast_in_dim3A_10, %select_n3A_251 : vector<16xi32>
      %select_n3A_308 = arith.select %eq3A_307, %div3A_272, %broadcast_in_dim3A_14 : vector<16xi1>, vector<16xf32>
      %eq3A_309 = arith.cmpi eq, %broadcast_in_dim3A_10, %select_n3A_268 : vector<16xi32>
      %select_n3A_310 = arith.select %eq3A_309, %div3A_273, %broadcast_in_dim3A_14 : vector<16xi1>, vector<16xf32>
      %add3A_311 = arith.addf %select_n3A_308, %select_n3A_310 : vector<16xf32>
      %swap3A_312 = arith.constant 3 : i32
      %swap3A_313 = arith.index_cast %swap3A_312 : i32 to index
      %swap3A_314 = arith.constant 32 : index
      %swap3A_315 = tpu.vector_load %arg6[%swap3A_313, %swap3A_314] {strides = array<i32>} : memref<4x128xf32, #tpu.memory_space<vmem>>, vector<1x16xf32>,
      %swap3A_316 = vector.shape_cast %swap3A_315 : vector<1x16xf32> to vector<16xf32>
      %swap3A_317 = vector.shape_cast %add3A_311 : vector<16xf32> to vector<1x16xf32>
      tpu.vector_store %arg6[%swap3A_313, %swap3A_314], %swap3A_317 {strides = array<i32>} : memref<4x128xf32, #tpu.memory_space<vmem>>, vector<1x16xf32>,
      %swap3A_318 = arith.constant 0 : i32
      %swap3A_319 = arith.index_cast %swap3A_318 : i32 to index
      %swap3A_320 = arith.constant 32 : index
      %swap3A_321 = tpu.vector_load %arg7[%swap3A_319, %swap3A_320] {strides = array<i32>} : memref<2x128xi32, #tpu.memory_space<vmem>>, vector<1x16xi32>,
      %swap3A_322 = vector.shape_cast %swap3A_321 : vector<1x16xi32> to vector<16xi32>
      %swap3A_323 = vector.shape_cast %select_n3A_251 : vector<16xi32> to vector<1x16xi32>
      tpu.vector_store %arg7[%swap3A_319, %swap3A_320], %swap3A_323 {strides = array<i32>} : memref<2x128xi32, #tpu.memory_space<vmem>>, vector<1x16xi32>,
      %swap3A_324 = arith.constant 1 : i32
      %swap3A_325 = arith.index_cast %swap3A_324 : i32 to index
      %swap3A_326 = arith.constant 32 : index
      %swap3A_327 = tpu.vector_load %arg7[%swap3A_325, %swap3A_326] {strides = array<i32>} : memref<2x128xi32, #tpu.memory_space<vmem>>, vector<1x16xi32>,
      %swap3A_328 = vector.shape_cast %swap3A_327 : vector<1x16xi32> to vector<16xi32>
      %swap3A_329 = vector.shape_cast %select_n3A_268 : vector<16xi32> to vector<1x16xi32>
      tpu.vector_store %arg7[%swap3A_325, %swap3A_326], %swap3A_329 {strides = array<i32>} : memref<2x128xi32, #tpu.memory_space<vmem>>, vector<1x16xi32>,
      %get3A_330 = arith.constant 0 : i32
      %get3A_331 = arith.index_cast %get3A_330 : i32 to index
      %get3A_332 = arith.constant 48 : index
      %get3A_333 = tpu.vector_load %arg5[%get3A_331, %get3A_332] {strides = array<i32>} : memref<4x128xf32, #tpu.memory_space<vmem>>, vector<1x16xf32>,
      %get3A_334 = vector.shape_cast %get3A_333 : vector<1x16xf32> to vector<16xf32>
      %get3A_335 = arith.constant 1 : i32
      %get3A_336 = arith.index_cast %get3A_335 : i32 to index
      %get3A_337 = arith.constant 48 : index
      %get3A_338 = tpu.vector_load %arg5[%get3A_336, %get3A_337] {strides = array<i32>} : memref<4x128xf32, #tpu.memory_space<vmem>>, vector<1x16xf32>,
      %get3A_339 = vector.shape_cast %get3A_338 : vector<1x16xf32> to vector<16xf32>
      %get3A_340 = arith.constant 2 : i32
      %get3A_341 = arith.index_cast %get3A_340 : i32 to index
      %get3A_342 = arith.constant 48 : index
      %get3A_343 = tpu.vector_load %arg5[%get3A_341, %get3A_342] {strides = array<i32>} : memref<4x128xf32, #tpu.memory_space<vmem>>, vector<1x16xf32>,
      %get3A_344 = vector.shape_cast %get3A_343 : vector<1x16xf32> to vector<16xf32>
      %get3A_345 = arith.constant 3 : i32
      %get3A_346 = arith.index_cast %get3A_345 : i32 to index
      %get3A_347 = arith.constant 48 : index
      %get3A_348 = tpu.vector_load %arg5[%get3A_346, %get3A_347] {strides = array<i32>} : memref<4x128xf32, #tpu.memory_space<vmem>>, vector<1x16xf32>,
      %get3A_349 = vector.shape_cast %get3A_348 : vector<1x16xf32> to vector<16xf32>
      %max3A_350 = arith.maximumf %get3A_334, %get3A_339 : vector<16xf32>
      %max3A_351 = arith.maximumf %get3A_344, %get3A_349 : vector<16xf32>
      %max3A_352 = arith.maximumf %max3A_350, %max3A_351 : vector<16xf32>
      %eq3A_353 = arith.cmpf oeq, %get3A_334, %max3A_352 : vector<16xf32>
      %eq3A_354 = arith.cmpf oeq, %get3A_339, %max3A_352 : vector<16xf32>
      %eq3A_355 = arith.cmpf oeq, %get3A_344, %max3A_352 : vector<16xf32>
      %select_n3A_356 = arith.select %eq3A_355, %broadcast_in_dim3A_8, %broadcast_in_dim3A_10 : vector<16xi1>, vector<16xi32>
      %select_n3A_357 = arith.select %eq3A_354, %broadcast_in_dim3A_6, %select_n3A_356 : vector<16xi1>, vector<16xi32>
      %select_n3A_358 = arith.select %eq3A_353, %broadcast_in_dim3A_4, %select_n3A_357 : vector<16xi1>, vector<16xi32>
      %eq3A_359 = arith.cmpi eq, %select_n3A_358, %broadcast_in_dim3A_4 : vector<16xi32>
      %select_n3A_360 = arith.select %eq3A_359, %broadcast_in_dim3A_12, %get3A_334 : vector<16xi1>, vector<16xf32>
      %eq3A_361 = arith.cmpi eq, %select_n3A_358, %broadcast_in_dim3A_6 : vector<16xi32>
      %select_n3A_362 = arith.select %eq3A_361, %broadcast_in_dim3A_12, %get3A_339 : vector<16xi1>, vector<16xf32>
      %eq3A_363 = arith.cmpi eq, %select_n3A_358, %broadcast_in_dim3A_8 : vector<16xi32>
      %select_n3A_364 = arith.select %eq3A_363, %broadcast_in_dim3A_12, %get3A_344 : vector<16xi1>, vector<16xf32>
      %eq3A_365 = arith.cmpi eq, %select_n3A_358, %broadcast_in_dim3A_10 : vector<16xi32>
      %select_n3A_366 = arith.select %eq3A_365, %broadcast_in_dim3A_12, %get3A_349 : vector<16xi1>, vector<16xf32>
      %max3A_367 = arith.maximumf %select_n3A_360, %select_n3A_362 : vector<16xf32>
      %max3A_368 = arith.maximumf %select_n3A_364, %select_n3A_366 : vector<16xf32>
      %max3A_369 = arith.maximumf %max3A_367, %max3A_368 : vector<16xf32>
      %eq3A_370 = arith.cmpf oeq, %select_n3A_360, %max3A_369 : vector<16xf32>
      %eq3A_371 = arith.cmpf oeq, %select_n3A_362, %max3A_369 : vector<16xf32>
      %eq3A_372 = arith.cmpf oeq, %select_n3A_364, %max3A_369 : vector<16xf32>
      %select_n3A_373 = arith.select %eq3A_372, %broadcast_in_dim3A_8, %broadcast_in_dim3A_10 : vector<16xi1>, vector<16xi32>
      %select_n3A_374 = arith.select %eq3A_371, %broadcast_in_dim3A_6, %select_n3A_373 : vector<16xi1>, vector<16xi32>
      %select_n3A_375 = arith.select %eq3A_370, %broadcast_in_dim3A_4, %select_n3A_374 : vector<16xi1>, vector<16xi32>
      %sub3A_376 = arith.subf %max3A_369, %max3A_352 : vector<16xf32>
      %exp3A_377 = math.exp %sub3A_376 : vector<16xf32>
      %add3A_378 = arith.addf %broadcast_in_dim3A_16, %exp3A_377 : vector<16xf32>
      %div3A_379 = arith.divf %broadcast_in_dim3A_16, %add3A_378 : vector<16xf32>
      %div3A_380 = arith.divf %exp3A_377, %add3A_378 : vector<16xf32>
      %eq3A_381 = arith.cmpi eq, %broadcast_in_dim3A_4, %select_n3A_358 : vector<16xi32>
      %select_n3A_382 = arith.select %eq3A_381, %div3A_379, %broadcast_in_dim3A_14 : vector<16xi1>, vector<16xf32>
      %eq3A_383 = arith.cmpi eq, %broadcast_in_dim3A_4, %select_n3A_375 : vector<16xi32>
      %select_n3A_384 = arith.select %eq3A_383, %div3A_380, %broadcast_in_dim3A_14 : vector<16xi1>, vector<16xf32>
      %add3A_385 = arith.addf %select_n3A_382, %select_n3A_384 : vector<16xf32>
      %swap3A_386 = arith.constant 0 : i32
      %swap3A_387 = arith.index_cast %swap3A_386 : i32 to index
      %swap3A_388 = arith.constant 48 : index
      %swap3A_389 = tpu.vector_load %arg6[%swap3A_387, %swap3A_388] {strides = array<i32>} : memref<4x128xf32, #tpu.memory_space<vmem>>, vector<1x16xf32>,
      %swap3A_390 = vector.shape_cast %swap3A_389 : vector<1x16xf32> to vector<16xf32>
      %swap3A_391 = vector.shape_cast %add3A_385 : vector<16xf32> to vector<1x16xf32>
      tpu.vector_store %arg6[%swap3A_387, %swap3A_388], %swap3A_391 {strides = array<i32>} : memref<4x128xf32, #tpu.memory_space<vmem>>, vector<1x16xf32>,
      %eq3A_392 = arith.cmpi eq, %broadcast_in_dim3A_6, %select_n3A_358 : vector<16xi32>
      %select_n3A_393 = arith.select %eq3A_392, %div3A_379, %broadcast_in_dim3A_14 : vector<16xi1>, vector<16xf32>
      %eq3A_394 = arith.cmpi eq, %broadcast_in_dim3A_6, %select_n3A_375 : vector<16xi32>
      %select_n3A_395 = arith.select %eq3A_394, %div3A_380, %broadcast_in_dim3A_14 : vector<16xi1>, vector<16xf32>
      %add3A_396 = arith.addf %select_n3A_393, %select_n3A_395 : vector<16xf32>
      %swap3A_397 = arith.constant 1 : i32
      %swap3A_398 = arith.index_cast %swap3A_397 : i32 to index
      %swap3A_399 = arith.constant 48 : index
      %swap3A_400 = tpu.vector_load %arg6[%swap3A_398, %swap3A_399] {strides = array<i32>} : memref<4x128xf32, #tpu.memory_space<vmem>>, vector<1x16xf32>,
      %swap3A_401 = vector.shape_cast %swap3A_400 : vector<1x16xf32> to vector<16xf32>
      %swap3A_402 = vector.shape_cast %add3A_396 : vector<16xf32> to vector<1x16xf32>
      tpu.vector_store %arg6[%swap3A_398, %swap3A_399], %swap3A_402 {strides = array<i32>} : memref<4x128xf32, #tpu.memory_space<vmem>>, vector<1x16xf32>,
      %eq3A_403 = arith.cmpi eq, %broadcast_in_dim3A_8, %select_n3A_358 : vector<16xi32>
      %select_n3A_404 = arith.select %eq3A_403, %div3A_379, %broadcast_in_dim3A_14 : vector<16xi1>, vector<16xf32>
      %eq3A_405 = arith.cmpi eq, %broadcast_in_dim3A_8, %select_n3A_375 : vector<16xi32>
      %select_n3A_406 = arith.select %eq3A_405, %div3A_380, %broadcast_in_dim3A_14 : vector<16xi1>, vector<16xf32>
      %add3A_407 = arith.addf %select_n3A_404, %select_n3A_406 : vector<16xf32>
      %swap3A_408 = arith.constant 2 : i32
      %swap3A_409 = arith.index_cast %swap3A_408 : i32 to index
      %swap3A_410 = arith.constant 48 : index
      %swap3A_411 = tpu.vector_load %arg6[%swap3A_409, %swap3A_410] {strides = array<i32>} : memref<4x128xf32, #tpu.memory_space<vmem>>, vector<1x16xf32>,
      %swap3A_412 = vector.shape_cast %swap3A_411 : vector<1x16xf32> to vector<16xf32>
      %swap3A_413 = vector.shape_cast %add3A_407 : vector<16xf32> to vector<1x16xf32>
      tpu.vector_store %arg6[%swap3A_409, %swap3A_410], %swap3A_413 {strides = array<i32>} : memref<4x128xf32, #tpu.memory_space<vmem>>, vector<1x16xf32>,
      %eq3A_414 = arith.cmpi eq, %broadcast_in_dim3A_10, %select_n3A_358 : vector<16xi32>
      %select_n3A_415 = arith.select %eq3A_414, %div3A_379, %broadcast_in_dim3A_14 : vector<16xi1>, vector<16xf32>
      %eq3A_416 = arith.cmpi eq, %broadcast_in_dim3A_10, %select_n3A_375 : vector<16xi32>
      %select_n3A_417 = arith.select %eq3A_416, %div3A_380, %broadcast_in_dim3A_14 : vector<16xi1>, vector<16xf32>
      %add3A_418 = arith.addf %select_n3A_415, %select_n3A_417 : vector<16xf32>
      %swap3A_419 = arith.constant 3 : i32
      %swap3A_420 = arith.index_cast %swap3A_419 : i32 to index
      %swap3A_421 = arith.constant 48 : index
      %swap3A_422 = tpu.vector_load %arg6[%swap3A_420, %swap3A_421] {strides = array<i32>} : memref<4x128xf32, #tpu.memory_space<vmem>>, vector<1x16xf32>,
      %swap3A_423 = vector.shape_cast %swap3A_422 : vector<1x16xf32> to vector<16xf32>
      %swap3A_424 = vector.shape_cast %add3A_418 : vector<16xf32> to vector<1x16xf32>
      tpu.vector_store %arg6[%swap3A_420, %swap3A_421], %swap3A_424 {strides = array<i32>} : memref<4x128xf32, #tpu.memory_space<vmem>>, vector<1x16xf32>,
      %swap3A_425 = arith.constant 0 : i32
      %swap3A_426 = arith.index_cast %swap3A_425 : i32 to index
      %swap3A_427 = arith.constant 48 : index
      %swap3A_428 = tpu.vector_load %arg7[%swap3A_426, %swap3A_427] {strides = array<i32>} : memref<2x128xi32, #tpu.memory_space<vmem>>, vector<1x16xi32>,
      %swap3A_429 = vector.shape_cast %swap3A_428 : vector<1x16xi32> to vector<16xi32>
      %swap3A_430 = vector.shape_cast %select_n3A_358 : vector<16xi32> to vector<1x16xi32>
      tpu.vector_store %arg7[%swap3A_426, %swap3A_427], %swap3A_430 {strides = array<i32>} : memref<2x128xi32, #tpu.memory_space<vmem>>, vector<1x16xi32>,
      %swap3A_431 = arith.constant 1 : i32
      %swap3A_432 = arith.index_cast %swap3A_431 : i32 to index
      %swap3A_433 = arith.constant 48 : index
      %swap3A_434 = tpu.vector_load %arg7[%swap3A_432, %swap3A_433] {strides = array<i32>} : memref<2x128xi32, #tpu.memory_space<vmem>>, vector<1x16xi32>,
      %swap3A_435 = vector.shape_cast %swap3A_434 : vector<1x16xi32> to vector<16xi32>
      %swap3A_436 = vector.shape_cast %select_n3A_375 : vector<16xi32> to vector<1x16xi32>
      tpu.vector_store %arg7[%swap3A_432, %swap3A_433], %swap3A_436 {strides = array<i32>} : memref<2x128xi32, #tpu.memory_space<vmem>>, vector<1x16xi32>,
      %get3A_437 = arith.constant 0 : i32
      %get3A_438 = arith.index_cast %get3A_437 : i32 to index
      %get3A_439 = arith.constant 64 : index
      %get3A_440 = tpu.vector_load %arg5[%get3A_438, %get3A_439] {strides = array<i32>} : memref<4x128xf32, #tpu.memory_space<vmem>>, vector<1x16xf32>,
      %get3A_441 = vector.shape_cast %get3A_440 : vector<1x16xf32> to vector<16xf32>
      %get3A_442 = arith.constant 1 : i32
      %get3A_443 = arith.index_cast %get3A_442 : i32 to index
      %get3A_444 = arith.constant 64 : index
      %get3A_445 = tpu.vector_load %arg5[%get3A_443, %get3A_444] {strides = array<i32>} : memref<4x128xf32, #tpu.memory_space<vmem>>, vector<1x16xf32>,
      %get3A_446 = vector.shape_cast %get3A_445 : vector<1x16xf32> to vector<16xf32>
      %get3A_447 = arith.constant 2 : i32
      %get3A_448 = arith.index_cast %get3A_447 : i32 to index
      %get3A_449 = arith.constant 64 : index
      %get3A_450 = tpu.vector_load %arg5[%get3A_448, %get3A_449] {strides = array<i32>} : memref<4x128xf32, #tpu.memory_space<vmem>>, vector<1x16xf32>,
      %get3A_451 = vector.shape_cast %get3A_450 : vector<1x16xf32> to vector<16xf32>
      %get3A_452 = arith.constant 3 : i32
      %get3A_453 = arith.index_cast %get3A_452 : i32 to index
      %get3A_454 = arith.constant 64 : index
      %get3A_455 = tpu.vector_load %arg5[%get3A_453, %get3A_454] {strides = array<i32>} : memref<4x128xf32, #tpu.memory_space<vmem>>, vector<1x16xf32>,
      %get3A_456 = vector.shape_cast %get3A_455 : vector<1x16xf32> to vector<16xf32>
      %max3A_457 = arith.maximumf %get3A_441, %get3A_446 : vector<16xf32>
      %max3A_458 = arith.maximumf %get3A_451, %get3A_456 : vector<16xf32>
      %max3A_459 = arith.maximumf %max3A_457, %max3A_458 : vector<16xf32>
      %eq3A_460 = arith.cmpf oeq, %get3A_441, %max3A_459 : vector<16xf32>
      %eq3A_461 = arith.cmpf oeq, %get3A_446, %max3A_459 : vector<16xf32>
      %eq3A_462 = arith.cmpf oeq, %get3A_451, %max3A_459 : vector<16xf32>
      %select_n3A_463 = arith.select %eq3A_462, %broadcast_in_dim3A_8, %broadcast_in_dim3A_10 : vector<16xi1>, vector<16xi32>
      %select_n3A_464 = arith.select %eq3A_461, %broadcast_in_dim3A_6, %select_n3A_463 : vector<16xi1>, vector<16xi32>
      %select_n3A_465 = arith.select %eq3A_460, %broadcast_in_dim3A_4, %select_n3A_464 : vector<16xi1>, vector<16xi32>
      %eq3A_466 = arith.cmpi eq, %select_n3A_465, %broadcast_in_dim3A_4 : vector<16xi32>
      %select_n3A_467 = arith.select %eq3A_466, %broadcast_in_dim3A_12, %get3A_441 : vector<16xi1>, vector<16xf32>
      %eq3A_468 = arith.cmpi eq, %select_n3A_465, %broadcast_in_dim3A_6 : vector<16xi32>
      %select_n3A_469 = arith.select %eq3A_468, %broadcast_in_dim3A_12, %get3A_446 : vector<16xi1>, vector<16xf32>
      %eq3A_470 = arith.cmpi eq, %select_n3A_465, %broadcast_in_dim3A_8 : vector<16xi32>
      %select_n3A_471 = arith.select %eq3A_470, %broadcast_in_dim3A_12, %get3A_451 : vector<16xi1>, vector<16xf32>
      %eq3A_472 = arith.cmpi eq, %select_n3A_465, %broadcast_in_dim3A_10 : vector<16xi32>
      %select_n3A_473 = arith.select %eq3A_472, %broadcast_in_dim3A_12, %get3A_456 : vector<16xi1>, vector<16xf32>
      %max3A_474 = arith.maximumf %select_n3A_467, %select_n3A_469 : vector<16xf32>
      %max3A_475 = arith.maximumf %select_n3A_471, %select_n3A_473 : vector<16xf32>
      %max3A_476 = arith.maximumf %max3A_474, %max3A_475 : vector<16xf32>
      %eq3A_477 = arith.cmpf oeq, %select_n3A_467, %max3A_476 : vector<16xf32>
      %eq3A_478 = arith.cmpf oeq, %select_n3A_469, %max3A_476 : vector<16xf32>
      %eq3A_479 = arith.cmpf oeq, %select_n3A_471, %max3A_476 : vector<16xf32>
      %select_n3A_480 = arith.select %eq3A_479, %broadcast_in_dim3A_8, %broadcast_in_dim3A_10 : vector<16xi1>, vector<16xi32>
      %select_n3A_481 = arith.select %eq3A_478, %broadcast_in_dim3A_6, %select_n3A_480 : vector<16xi1>, vector<16xi32>
      %select_n3A_482 = arith.select %eq3A_477, %broadcast_in_dim3A_4, %select_n3A_481 : vector<16xi1>, vector<16xi32>
      %sub3A_483 = arith.subf %max3A_476, %max3A_459 : vector<16xf32>
      %exp3A_484 = math.exp %sub3A_483 : vector<16xf32>
      %add3A_485 = arith.addf %broadcast_in_dim3A_16, %exp3A_484 : vector<16xf32>
      %div3A_486 = arith.divf %broadcast_in_dim3A_16, %add3A_485 : vector<16xf32>
      %div3A_487 = arith.divf %exp3A_484, %add3A_485 : vector<16xf32>
      %eq3A_488 = arith.cmpi eq, %broadcast_in_dim3A_4, %select_n3A_465 : vector<16xi32>
      %select_n3A_489 = arith.select %eq3A_488, %div3A_486, %broadcast_in_dim3A_14 : vector<16xi1>, vector<16xf32>
      %eq3A_490 = arith.cmpi eq, %broadcast_in_dim3A_4, %select_n3A_482 : vector<16xi32>
      %select_n3A_491 = arith.select %eq3A_490, %div3A_487, %broadcast_in_dim3A_14 : vector<16xi1>, vector<16xf32>
      %add3A_492 = arith.addf %select_n3A_489, %select_n3A_491 : vector<16xf32>
      %swap3A_493 = arith.constant 0 : i32
      %swap3A_494 = arith.index_cast %swap3A_493 : i32 to index
      %swap3A_495 = arith.constant 64 : index
      %swap3A_496 = tpu.vector_load %arg6[%swap3A_494, %swap3A_495] {strides = array<i32>} : memref<4x128xf32, #tpu.memory_space<vmem>>, vector<1x16xf32>,
      %swap3A_497 = vector.shape_cast %swap3A_496 : vector<1x16xf32> to vector<16xf32>
      %swap3A_498 = vector.shape_cast %add3A_492 : vector<16xf32> to vector<1x16xf32>
      tpu.vector_store %arg6[%swap3A_494, %swap3A_495], %swap3A_498 {strides = array<i32>} : memref<4x128xf32, #tpu.memory_space<vmem>>, vector<1x16xf32>,
      %eq3A_499 = arith.cmpi eq, %broadcast_in_dim3A_6, %select_n3A_465 : vector<16xi32>
      %select_n3A_500 = arith.select %eq3A_499, %div3A_486, %broadcast_in_dim3A_14 : vector<16xi1>, vector<16xf32>
      %eq3A_501 = arith.cmpi eq, %broadcast_in_dim3A_6, %select_n3A_482 : vector<16xi32>
      %select_n3A_502 = arith.select %eq3A_501, %div3A_487, %broadcast_in_dim3A_14 : vector<16xi1>, vector<16xf32>
      %add3A_503 = arith.addf %select_n3A_500, %select_n3A_502 : vector<16xf32>
      %swap3A_504 = arith.constant 1 : i32
      %swap3A_505 = arith.index_cast %swap3A_504 : i32 to index
      %swap3A_506 = arith.constant 64 : index
      %swap3A_507 = tpu.vector_load %arg6[%swap3A_505, %swap3A_506] {strides = array<i32>} : memref<4x128xf32, #tpu.memory_space<vmem>>, vector<1x16xf32>,
      %swap3A_508 = vector.shape_cast %swap3A_507 : vector<1x16xf32> to vector<16xf32>
      %swap3A_509 = vector.shape_cast %add3A_503 : vector<16xf32> to vector<1x16xf32>
      tpu.vector_store %arg6[%swap3A_505, %swap3A_506], %swap3A_509 {strides = array<i32>} : memref<4x128xf32, #tpu.memory_space<vmem>>, vector<1x16xf32>,
      %eq3A_510 = arith.cmpi eq, %broadcast_in_dim3A_8, %select_n3A_465 : vector<16xi32>
      %select_n3A_511 = arith.select %eq3A_510, %div3A_486, %broadcast_in_dim3A_14 : vector<16xi1>, vector<16xf32>
      %eq3A_512 = arith.cmpi eq, %broadcast_in_dim3A_8, %select_n3A_482 : vector<16xi32>
      %select_n3A_513 = arith.select %eq3A_512, %div3A_487, %broadcast_in_dim3A_14 : vector<16xi1>, vector<16xf32>
      %add3A_514 = arith.addf %select_n3A_511, %select_n3A_513 : vector<16xf32>
      %swap3A_515 = arith.constant 2 : i32
      %swap3A_516 = arith.index_cast %swap3A_515 : i32 to index
      %swap3A_517 = arith.constant 64 : index
      %swap3A_518 = tpu.vector_load %arg6[%swap3A_516, %swap3A_517] {strides = array<i32>} : memref<4x128xf32, #tpu.memory_space<vmem>>, vector<1x16xf32>,
      %swap3A_519 = vector.shape_cast %swap3A_518 : vector<1x16xf32> to vector<16xf32>
      %swap3A_520 = vector.shape_cast %add3A_514 : vector<16xf32> to vector<1x16xf32>
      tpu.vector_store %arg6[%swap3A_516, %swap3A_517], %swap3A_520 {strides = array<i32>} : memref<4x128xf32, #tpu.memory_space<vmem>>, vector<1x16xf32>,
      %eq3A_521 = arith.cmpi eq, %broadcast_in_dim3A_10, %select_n3A_465 : vector<16xi32>
      %select_n3A_522 = arith.select %eq3A_521, %div3A_486, %broadcast_in_dim3A_14 : vector<16xi1>, vector<16xf32>
      %eq3A_523 = arith.cmpi eq, %broadcast_in_dim3A_10, %select_n3A_482 : vector<16xi32>
      %select_n3A_524 = arith.select %eq3A_523, %div3A_487, %broadcast_in_dim3A_14 : vector<16xi1>, vector<16xf32>
      %add3A_525 = arith.addf %select_n3A_522, %select_n3A_524 : vector<16xf32>
      %swap3A_526 = arith.constant 3 : i32
      %swap3A_527 = arith.index_cast %swap3A_526 : i32 to index
      %swap3A_528 = arith.constant 64 : index
      %swap3A_529 = tpu.vector_load %arg6[%swap3A_527, %swap3A_528] {strides = array<i32>} : memref<4x128xf32, #tpu.memory_space<vmem>>, vector<1x16xf32>,
      %swap3A_530 = vector.shape_cast %swap3A_529 : vector<1x16xf32> to vector<16xf32>
      %swap3A_531 = vector.shape_cast %add3A_525 : vector<16xf32> to vector<1x16xf32>
      tpu.vector_store %arg6[%swap3A_527, %swap3A_528], %swap3A_531 {strides = array<i32>} : memref<4x128xf32, #tpu.memory_space<vmem>>, vector<1x16xf32>,
      %swap3A_532 = arith.constant 0 : i32
      %swap3A_533 = arith.index_cast %swap3A_532 : i32 to index
      %swap3A_534 = arith.constant 64 : index
      %swap3A_535 = tpu.vector_load %arg7[%swap3A_533, %swap3A_534] {strides = array<i32>} : memref<2x128xi32, #tpu.memory_space<vmem>>, vector<1x16xi32>,
      %swap3A_536 = vector.shape_cast %swap3A_535 : vector<1x16xi32> to vector<16xi32>
      %swap3A_537 = vector.shape_cast %select_n3A_465 : vector<16xi32> to vector<1x16xi32>
      tpu.vector_store %arg7[%swap3A_533, %swap3A_534], %swap3A_537 {strides = array<i32>} : memref<2x128xi32, #tpu.memory_space<vmem>>, vector<1x16xi32>,
      %swap3A_538 = arith.constant 1 : i32
      %swap3A_539 = arith.index_cast %swap3A_538 : i32 to index
      %swap3A_540 = arith.constant 64 : index
      %swap3A_541 = tpu.vector_load %arg7[%swap3A_539, %swap3A_540] {strides = array<i32>} : memref<2x128xi32, #tpu.memory_space<vmem>>, vector<1x16xi32>,
      %swap3A_542 = vector.shape_cast %swap3A_541 : vector<1x16xi32> to vector<16xi32>
      %swap3A_543 = vector.shape_cast %select_n3A_482 : vector<16xi32> to vector<1x16xi32>
      tpu.vector_store %arg7[%swap3A_539, %swap3A_540], %swap3A_543 {strides = array<i32>} : memref<2x128xi32, #tpu.memory_space<vmem>>, vector<1x16xi32>,
      %get3A_544 = arith.constant 0 : i32
      %get3A_545 = arith.index_cast %get3A_544 : i32 to index
      %get3A_546 = arith.constant 80 : index
      %get3A_547 = tpu.vector_load %arg5[%get3A_545, %get3A_546] {strides = array<i32>} : memref<4x128xf32, #tpu.memory_space<vmem>>, vector<1x16xf32>,
      %get3A_548 = vector.shape_cast %get3A_547 : vector<1x16xf32> to vector<16xf32>
      %get3A_549 = arith.constant 1 : i32
      %get3A_550 = arith.index_cast %get3A_549 : i32 to index
      %get3A_551 = arith.constant 80 : index
      %get3A_552 = tpu.vector_load %arg5[%get3A_550, %get3A_551] {strides = array<i32>} : memref<4x128xf32, #tpu.memory_space<vmem>>, vector<1x16xf32>,
      %get3A_553 = vector.shape_cast %get3A_552 : vector<1x16xf32> to vector<16xf32>
      %get3A_554 = arith.constant 2 : i32
      %get3A_555 = arith.index_cast %get3A_554 : i32 to index
      %get3A_556 = arith.constant 80 : index
      %get3A_557 = tpu.vector_load %arg5[%get3A_555, %get3A_556] {strides = array<i32>} : memref<4x128xf32, #tpu.memory_space<vmem>>, vector<1x16xf32>,
      %get3A_558 = vector.shape_cast %get3A_557 : vector<1x16xf32> to vector<16xf32>
      %get3A_559 = arith.constant 3 : i32
      %get3A_560 = arith.index_cast %get3A_559 : i32 to index
      %get3A_561 = arith.constant 80 : index
      %get3A_562 = tpu.vector_load %arg5[%get3A_560, %get3A_561] {strides = array<i32>} : memref<4x128xf32, #tpu.memory_space<vmem>>, vector<1x16xf32>,
      %get3A_563 = vector.shape_cast %get3A_562 : vector<1x16xf32> to vector<16xf32>
      %max3A_564 = arith.maximumf %get3A_548, %get3A_553 : vector<16xf32>
      %max3A_565 = arith.maximumf %get3A_558, %get3A_563 : vector<16xf32>
      %max3A_566 = arith.maximumf %max3A_564, %max3A_565 : vector<16xf32>
      %eq3A_567 = arith.cmpf oeq, %get3A_548, %max3A_566 : vector<16xf32>
      %eq3A_568 = arith.cmpf oeq, %get3A_553, %max3A_566 : vector<16xf32>
      %eq3A_569 = arith.cmpf oeq, %get3A_558, %max3A_566 : vector<16xf32>
      %select_n3A_570 = arith.select %eq3A_569, %broadcast_in_dim3A_8, %broadcast_in_dim3A_10 : vector<16xi1>, vector<16xi32>
      %select_n3A_571 = arith.select %eq3A_568, %broadcast_in_dim3A_6, %select_n3A_570 : vector<16xi1>, vector<16xi32>
      %select_n3A_572 = arith.select %eq3A_567, %broadcast_in_dim3A_4, %select_n3A_571 : vector<16xi1>, vector<16xi32>
      %eq3A_573 = arith.cmpi eq, %select_n3A_572, %broadcast_in_dim3A_4 : vector<16xi32>
      %select_n3A_574 = arith.select %eq3A_573, %broadcast_in_dim3A_12, %get3A_548 : vector<16xi1>, vector<16xf32>
      %eq3A_575 = arith.cmpi eq, %select_n3A_572, %broadcast_in_dim3A_6 : vector<16xi32>
      %select_n3A_576 = arith.select %eq3A_575, %broadcast_in_dim3A_12, %get3A_553 : vector<16xi1>, vector<16xf32>
      %eq3A_577 = arith.cmpi eq, %select_n3A_572, %broadcast_in_dim3A_8 : vector<16xi32>
      %select_n3A_578 = arith.select %eq3A_577, %broadcast_in_dim3A_12, %get3A_558 : vector<16xi1>, vector<16xf32>
      %eq3A_579 = arith.cmpi eq, %select_n3A_572, %broadcast_in_dim3A_10 : vector<16xi32>
      %select_n3A_580 = arith.select %eq3A_579, %broadcast_in_dim3A_12, %get3A_563 : vector<16xi1>, vector<16xf32>
      %max3A_581 = arith.maximumf %select_n3A_574, %select_n3A_576 : vector<16xf32>
      %max3A_582 = arith.maximumf %select_n3A_578, %select_n3A_580 : vector<16xf32>
      %max3A_583 = arith.maximumf %max3A_581, %max3A_582 : vector<16xf32>
      %eq3A_584 = arith.cmpf oeq, %select_n3A_574, %max3A_583 : vector<16xf32>
      %eq3A_585 = arith.cmpf oeq, %select_n3A_576, %max3A_583 : vector<16xf32>
      %eq3A_586 = arith.cmpf oeq, %select_n3A_578, %max3A_583 : vector<16xf32>
      %select_n3A_587 = arith.select %eq3A_586, %broadcast_in_dim3A_8, %broadcast_in_dim3A_10 : vector<16xi1>, vector<16xi32>
      %select_n3A_588 = arith.select %eq3A_585, %broadcast_in_dim3A_6, %select_n3A_587 : vector<16xi1>, vector<16xi32>
      %select_n3A_589 = arith.select %eq3A_584, %broadcast_in_dim3A_4, %select_n3A_588 : vector<16xi1>, vector<16xi32>
      %sub3A_590 = arith.subf %max3A_583, %max3A_566 : vector<16xf32>
      %exp3A_591 = math.exp %sub3A_590 : vector<16xf32>
      %add3A_592 = arith.addf %broadcast_in_dim3A_16, %exp3A_591 : vector<16xf32>
      %div3A_593 = arith.divf %broadcast_in_dim3A_16, %add3A_592 : vector<16xf32>
      %div3A_594 = arith.divf %exp3A_591, %add3A_592 : vector<16xf32>
      %eq3A_595 = arith.cmpi eq, %broadcast_in_dim3A_4, %select_n3A_572 : vector<16xi32>
      %select_n3A_596 = arith.select %eq3A_595, %div3A_593, %broadcast_in_dim3A_14 : vector<16xi1>, vector<16xf32>
      %eq3A_597 = arith.cmpi eq, %broadcast_in_dim3A_4, %select_n3A_589 : vector<16xi32>
      %select_n3A_598 = arith.select %eq3A_597, %div3A_594, %broadcast_in_dim3A_14 : vector<16xi1>, vector<16xf32>
      %add3A_599 = arith.addf %select_n3A_596, %select_n3A_598 : vector<16xf32>
      %swap3A_600 = arith.constant 0 : i32
      %swap3A_601 = arith.index_cast %swap3A_600 : i32 to index
      %swap3A_602 = arith.constant 80 : index
      %swap3A_603 = tpu.vector_load %arg6[%swap3A_601, %swap3A_602] {strides = array<i32>} : memref<4x128xf32, #tpu.memory_space<vmem>>, vector<1x16xf32>,
      %swap3A_604 = vector.shape_cast %swap3A_603 : vector<1x16xf32> to vector<16xf32>
      %swap3A_605 = vector.shape_cast %add3A_599 : vector<16xf32> to vector<1x16xf32>
      tpu.vector_store %arg6[%swap3A_601, %swap3A_602], %swap3A_605 {strides = array<i32>} : memref<4x128xf32, #tpu.memory_space<vmem>>, vector<1x16xf32>,
      %eq3A_606 = arith.cmpi eq, %broadcast_in_dim3A_6, %select_n3A_572 : vector<16xi32>
      %select_n3A_607 = arith.select %eq3A_606, %div3A_593, %broadcast_in_dim3A_14 : vector<16xi1>, vector<16xf32>
      %eq3A_608 = arith.cmpi eq, %broadcast_in_dim3A_6, %select_n3A_589 : vector<16xi32>
      %select_n3A_609 = arith.select %eq3A_608, %div3A_594, %broadcast_in_dim3A_14 : vector<16xi1>, vector<16xf32>
      %add3A_610 = arith.addf %select_n3A_607, %select_n3A_609 : vector<16xf32>
      %swap3A_611 = arith.constant 1 : i32
      %swap3A_612 = arith.index_cast %swap3A_611 : i32 to index
      %swap3A_613 = arith.constant 80 : index
      %swap3A_614 = tpu.vector_load %arg6[%swap3A_612, %swap3A_613] {strides = array<i32>} : memref<4x128xf32, #tpu.memory_space<vmem>>, vector<1x16xf32>,
      %swap3A_615 = vector.shape_cast %swap3A_614 : vector<1x16xf32> to vector<16xf32>
      %swap3A_616 = vector.shape_cast %add3A_610 : vector<16xf32> to vector<1x16xf32>
      tpu.vector_store %arg6[%swap3A_612, %swap3A_613], %swap3A_616 {strides = array<i32>} : memref<4x128xf32, #tpu.memory_space<vmem>>, vector<1x16xf32>,
      %eq3A_617 = arith.cmpi eq, %broadcast_in_dim3A_8, %select_n3A_572 : vector<16xi32>
      %select_n3A_618 = arith.select %eq3A_617, %div3A_593, %broadcast_in_dim3A_14 : vector<16xi1>, vector<16xf32>
      %eq3A_619 = arith.cmpi eq, %broadcast_in_dim3A_8, %select_n3A_589 : vector<16xi32>
      %select_n3A_620 = arith.select %eq3A_619, %div3A_594, %broadcast_in_dim3A_14 : vector<16xi1>, vector<16xf32>
      %add3A_621 = arith.addf %select_n3A_618, %select_n3A_620 : vector<16xf32>
      %swap3A_622 = arith.constant 2 : i32
      %swap3A_623 = arith.index_cast %swap3A_622 : i32 to index
      %swap3A_624 = arith.constant 80 : index
      %swap3A_625 = tpu.vector_load %arg6[%swap3A_623, %swap3A_624] {strides = array<i32>} : memref<4x128xf32, #tpu.memory_space<vmem>>, vector<1x16xf32>,
      %swap3A_626 = vector.shape_cast %swap3A_625 : vector<1x16xf32> to vector<16xf32>
      %swap3A_627 = vector.shape_cast %add3A_621 : vector<16xf32> to vector<1x16xf32>
      tpu.vector_store %arg6[%swap3A_623, %swap3A_624], %swap3A_627 {strides = array<i32>} : memref<4x128xf32, #tpu.memory_space<vmem>>, vector<1x16xf32>,
      %eq3A_628 = arith.cmpi eq, %broadcast_in_dim3A_10, %select_n3A_572 : vector<16xi32>
      %select_n3A_629 = arith.select %eq3A_628, %div3A_593, %broadcast_in_dim3A_14 : vector<16xi1>, vector<16xf32>
      %eq3A_630 = arith.cmpi eq, %broadcast_in_dim3A_10, %select_n3A_589 : vector<16xi32>
      %select_n3A_631 = arith.select %eq3A_630, %div3A_594, %broadcast_in_dim3A_14 : vector<16xi1>, vector<16xf32>
      %add3A_632 = arith.addf %select_n3A_629, %select_n3A_631 : vector<16xf32>
      %swap3A_633 = arith.constant 3 : i32
      %swap3A_634 = arith.index_cast %swap3A_633 : i32 to index
      %swap3A_635 = arith.constant 80 : index
      %swap3A_636 = tpu.vector_load %arg6[%swap3A_634, %swap3A_635] {strides = array<i32>} : memref<4x128xf32, #tpu.memory_space<vmem>>, vector<1x16xf32>,
      %swap3A_637 = vector.shape_cast %swap3A_636 : vector<1x16xf32> to vector<16xf32>
      %swap3A_638 = vector.shape_cast %add3A_632 : vector<16xf32> to vector<1x16xf32>
      tpu.vector_store %arg6[%swap3A_634, %swap3A_635], %swap3A_638 {strides = array<i32>} : memref<4x128xf32, #tpu.memory_space<vmem>>, vector<1x16xf32>,
      %swap3A_639 = arith.constant 0 : i32
      %swap3A_640 = arith.index_cast %swap3A_639 : i32 to index
      %swap3A_641 = arith.constant 80 : index
      %swap3A_642 = tpu.vector_load %arg7[%swap3A_640, %swap3A_641] {strides = array<i32>} : memref<2x128xi32, #tpu.memory_space<vmem>>, vector<1x16xi32>,
      %swap3A_643 = vector.shape_cast %swap3A_642 : vector<1x16xi32> to vector<16xi32>
      %swap3A_644 = vector.shape_cast %select_n3A_572 : vector<16xi32> to vector<1x16xi32>
      tpu.vector_store %arg7[%swap3A_640, %swap3A_641], %swap3A_644 {strides = array<i32>} : memref<2x128xi32, #tpu.memory_space<vmem>>, vector<1x16xi32>,
      %swap3A_645 = arith.constant 1 : i32
      %swap3A_646 = arith.index_cast %swap3A_645 : i32 to index
      %swap3A_647 = arith.constant 80 : index
      %swap3A_648 = tpu.vector_load %arg7[%swap3A_646, %swap3A_647] {strides = array<i32>} : memref<2x128xi32, #tpu.memory_space<vmem>>, vector<1x16xi32>,
      %swap3A_649 = vector.shape_cast %swap3A_648 : vector<1x16xi32> to vector<16xi32>
      %swap3A_650 = vector.shape_cast %select_n3A_589 : vector<16xi32> to vector<1x16xi32>
      tpu.vector_store %arg7[%swap3A_646, %swap3A_647], %swap3A_650 {strides = array<i32>} : memref<2x128xi32, #tpu.memory_space<vmem>>, vector<1x16xi32>,
      %get3A_651 = arith.constant 0 : i32
      %get3A_652 = arith.index_cast %get3A_651 : i32 to index
      %get3A_653 = arith.constant 96 : index
      %get3A_654 = tpu.vector_load %arg5[%get3A_652, %get3A_653] {strides = array<i32>} : memref<4x128xf32, #tpu.memory_space<vmem>>, vector<1x16xf32>,
      %get3A_655 = vector.shape_cast %get3A_654 : vector<1x16xf32> to vector<16xf32>
      %get3A_656 = arith.constant 1 : i32
      %get3A_657 = arith.index_cast %get3A_656 : i32 to index
      %get3A_658 = arith.constant 96 : index
      %get3A_659 = tpu.vector_load %arg5[%get3A_657, %get3A_658] {strides = array<i32>} : memref<4x128xf32, #tpu.memory_space<vmem>>, vector<1x16xf32>,
      %get3A_660 = vector.shape_cast %get3A_659 : vector<1x16xf32> to vector<16xf32>
      %get3A_661 = arith.constant 2 : i32
      %get3A_662 = arith.index_cast %get3A_661 : i32 to index
      %get3A_663 = arith.constant 96 : index
      %get3A_664 = tpu.vector_load %arg5[%get3A_662, %get3A_663] {strides = array<i32>} : memref<4x128xf32, #tpu.memory_space<vmem>>, vector<1x16xf32>,
      %get3A_665 = vector.shape_cast %get3A_664 : vector<1x16xf32> to vector<16xf32>
      %get3A_666 = arith.constant 3 : i32
      %get3A_667 = arith.index_cast %get3A_666 : i32 to index
      %get3A_668 = arith.constant 96 : index
      %get3A_669 = tpu.vector_load %arg5[%get3A_667, %get3A_668] {strides = array<i32>} : memref<4x128xf32, #tpu.memory_space<vmem>>, vector<1x16xf32>,
      %get3A_670 = vector.shape_cast %get3A_669 : vector<1x16xf32> to vector<16xf32>
      %max3A_671 = arith.maximumf %get3A_655, %get3A_660 : vector<16xf32>
      %max3A_672 = arith.maximumf %get3A_665, %get3A_670 : vector<16xf32>
      %max3A_673 = arith.maximumf %max3A_671, %max3A_672 : vector<16xf32>
      %eq3A_674 = arith.cmpf oeq, %get3A_655, %max3A_673 : vector<16xf32>
      %eq3A_675 = arith.cmpf oeq, %get3A_660, %max3A_673 : vector<16xf32>
      %eq3A_676 = arith.cmpf oeq, %get3A_665, %max3A_673 : vector<16xf32>
      %select_n3A_677 = arith.select %eq3A_676, %broadcast_in_dim3A_8, %broadcast_in_dim3A_10 : vector<16xi1>, vector<16xi32>
      %select_n3A_678 = arith.select %eq3A_675, %broadcast_in_dim3A_6, %select_n3A_677 : vector<16xi1>, vector<16xi32>
      %select_n3A_679 = arith.select %eq3A_674, %broadcast_in_dim3A_4, %select_n3A_678 : vector<16xi1>, vector<16xi32>
      %eq3A_680 = arith.cmpi eq, %select_n3A_679, %broadcast_in_dim3A_4 : vector<16xi32>
      %select_n3A_681 = arith.select %eq3A_680, %broadcast_in_dim3A_12, %get3A_655 : vector<16xi1>, vector<16xf32>
      %eq3A_682 = arith.cmpi eq, %select_n3A_679, %broadcast_in_dim3A_6 : vector<16xi32>
      %select_n3A_683 = arith.select %eq3A_682, %broadcast_in_dim3A_12, %get3A_660 : vector<16xi1>, vector<16xf32>
      %eq3A_684 = arith.cmpi eq, %select_n3A_679, %broadcast_in_dim3A_8 : vector<16xi32>
      %select_n3A_685 = arith.select %eq3A_684, %broadcast_in_dim3A_12, %get3A_665 : vector<16xi1>, vector<16xf32>
      %eq3A_686 = arith.cmpi eq, %select_n3A_679, %broadcast_in_dim3A_10 : vector<16xi32>
      %select_n3A_687 = arith.select %eq3A_686, %broadcast_in_dim3A_12, %get3A_670 : vector<16xi1>, vector<16xf32>
      %max3A_688 = arith.maximumf %select_n3A_681, %select_n3A_683 : vector<16xf32>
      %max3A_689 = arith.maximumf %select_n3A_685, %select_n3A_687 : vector<16xf32>
      %max3A_690 = arith.maximumf %max3A_688, %max3A_689 : vector<16xf32>
      %eq3A_691 = arith.cmpf oeq, %select_n3A_681, %max3A_690 : vector<16xf32>
      %eq3A_692 = arith.cmpf oeq, %select_n3A_683, %max3A_690 : vector<16xf32>
      %eq3A_693 = arith.cmpf oeq, %select_n3A_685, %max3A_690 : vector<16xf32>
      %select_n3A_694 = arith.select %eq3A_693, %broadcast_in_dim3A_8, %broadcast_in_dim3A_10 : vector<16xi1>, vector<16xi32>
      %select_n3A_695 = arith.select %eq3A_692, %broadcast_in_dim3A_6, %select_n3A_694 : vector<16xi1>, vector<16xi32>
      %select_n3A_696 = arith.select %eq3A_691, %broadcast_in_dim3A_4, %select_n3A_695 : vector<16xi1>, vector<16xi32>
      %sub3A_697 = arith.subf %max3A_690, %max3A_673 : vector<16xf32>
      %exp3A_698 = math.exp %sub3A_697 : vector<16xf32>
      %add3A_699 = arith.addf %broadcast_in_dim3A_16, %exp3A_698 : vector<16xf32>
      %div3A_700 = arith.divf %broadcast_in_dim3A_16, %add3A_699 : vector<16xf32>
      %div3A_701 = arith.divf %exp3A_698, %add3A_699 : vector<16xf32>
      %eq3A_702 = arith.cmpi eq, %broadcast_in_dim3A_4, %select_n3A_679 : vector<16xi32>
      %select_n3A_703 = arith.select %eq3A_702, %div3A_700, %broadcast_in_dim3A_14 : vector<16xi1>, vector<16xf32>
      %eq3A_704 = arith.cmpi eq, %broadcast_in_dim3A_4, %select_n3A_696 : vector<16xi32>
      %select_n3A_705 = arith.select %eq3A_704, %div3A_701, %broadcast_in_dim3A_14 : vector<16xi1>, vector<16xf32>
      %add3A_706 = arith.addf %select_n3A_703, %select_n3A_705 : vector<16xf32>
      %swap3A_707 = arith.constant 0 : i32
      %swap3A_708 = arith.index_cast %swap3A_707 : i32 to index
      %swap3A_709 = arith.constant 96 : index
      %swap3A_710 = tpu.vector_load %arg6[%swap3A_708, %swap3A_709] {strides = array<i32>} : memref<4x128xf32, #tpu.memory_space<vmem>>, vector<1x16xf32>,
      %swap3A_711 = vector.shape_cast %swap3A_710 : vector<1x16xf32> to vector<16xf32>
      %swap3A_712 = vector.shape_cast %add3A_706 : vector<16xf32> to vector<1x16xf32>
      tpu.vector_store %arg6[%swap3A_708, %swap3A_709], %swap3A_712 {strides = array<i32>} : memref<4x128xf32, #tpu.memory_space<vmem>>, vector<1x16xf32>,
      %eq3A_713 = arith.cmpi eq, %broadcast_in_dim3A_6, %select_n3A_679 : vector<16xi32>
      %select_n3A_714 = arith.select %eq3A_713, %div3A_700, %broadcast_in_dim3A_14 : vector<16xi1>, vector<16xf32>
      %eq3A_715 = arith.cmpi eq, %broadcast_in_dim3A_6, %select_n3A_696 : vector<16xi32>
      %select_n3A_716 = arith.select %eq3A_715, %div3A_701, %broadcast_in_dim3A_14 : vector<16xi1>, vector<16xf32>
      %add3A_717 = arith.addf %select_n3A_714, %select_n3A_716 : vector<16xf32>
      %swap3A_718 = arith.constant 1 : i32
      %swap3A_719 = arith.index_cast %swap3A_718 : i32 to index
      %swap3A_720 = arith.constant 96 : index
      %swap3A_721 = tpu.vector_load %arg6[%swap3A_719, %swap3A_720] {strides = array<i32>} : memref<4x128xf32, #tpu.memory_space<vmem>>, vector<1x16xf32>,
      %swap3A_722 = vector.shape_cast %swap3A_721 : vector<1x16xf32> to vector<16xf32>
      %swap3A_723 = vector.shape_cast %add3A_717 : vector<16xf32> to vector<1x16xf32>
      tpu.vector_store %arg6[%swap3A_719, %swap3A_720], %swap3A_723 {strides = array<i32>} : memref<4x128xf32, #tpu.memory_space<vmem>>, vector<1x16xf32>,
      %eq3A_724 = arith.cmpi eq, %broadcast_in_dim3A_8, %select_n3A_679 : vector<16xi32>
      %select_n3A_725 = arith.select %eq3A_724, %div3A_700, %broadcast_in_dim3A_14 : vector<16xi1>, vector<16xf32>
      %eq3A_726 = arith.cmpi eq, %broadcast_in_dim3A_8, %select_n3A_696 : vector<16xi32>
      %select_n3A_727 = arith.select %eq3A_726, %div3A_701, %broadcast_in_dim3A_14 : vector<16xi1>, vector<16xf32>
      %add3A_728 = arith.addf %select_n3A_725, %select_n3A_727 : vector<16xf32>
      %swap3A_729 = arith.constant 2 : i32
      %swap3A_730 = arith.index_cast %swap3A_729 : i32 to index
      %swap3A_731 = arith.constant 96 : index
      %swap3A_732 = tpu.vector_load %arg6[%swap3A_730, %swap3A_731] {strides = array<i32>} : memref<4x128xf32, #tpu.memory_space<vmem>>, vector<1x16xf32>,
      %swap3A_733 = vector.shape_cast %swap3A_732 : vector<1x16xf32> to vector<16xf32>
      %swap3A_734 = vector.shape_cast %add3A_728 : vector<16xf32> to vector<1x16xf32>
      tpu.vector_store %arg6[%swap3A_730, %swap3A_731], %swap3A_734 {strides = array<i32>} : memref<4x128xf32, #tpu.memory_space<vmem>>, vector<1x16xf32>,
      %eq3A_735 = arith.cmpi eq, %broadcast_in_dim3A_10, %select_n3A_679 : vector<16xi32>
      %select_n3A_736 = arith.select %eq3A_735, %div3A_700, %broadcast_in_dim3A_14 : vector<16xi1>, vector<16xf32>
      %eq3A_737 = arith.cmpi eq, %broadcast_in_dim3A_10, %select_n3A_696 : vector<16xi32>
      %select_n3A_738 = arith.select %eq3A_737, %div3A_701, %broadcast_in_dim3A_14 : vector<16xi1>, vector<16xf32>
      %add3A_739 = arith.addf %select_n3A_736, %select_n3A_738 : vector<16xf32>
      %swap3A_740 = arith.constant 3 : i32
      %swap3A_741 = arith.index_cast %swap3A_740 : i32 to index
      %swap3A_742 = arith.constant 96 : index
      %swap3A_743 = tpu.vector_load %arg6[%swap3A_741, %swap3A_742] {strides = array<i32>} : memref<4x128xf32, #tpu.memory_space<vmem>>, vector<1x16xf32>,
      %swap3A_744 = vector.shape_cast %swap3A_743 : vector<1x16xf32> to vector<16xf32>
      %swap3A_745 = vector.shape_cast %add3A_739 : vector<16xf32> to vector<1x16xf32>
      tpu.vector_store %arg6[%swap3A_741, %swap3A_742], %swap3A_745 {strides = array<i32>} : memref<4x128xf32, #tpu.memory_space<vmem>>, vector<1x16xf32>,
      %swap3A_746 = arith.constant 0 : i32
      %swap3A_747 = arith.index_cast %swap3A_746 : i32 to index
      %swap3A_748 = arith.constant 96 : index
      %swap3A_749 = tpu.vector_load %arg7[%swap3A_747, %swap3A_748] {strides = array<i32>} : memref<2x128xi32, #tpu.memory_space<vmem>>, vector<1x16xi32>,
      %swap3A_750 = vector.shape_cast %swap3A_749 : vector<1x16xi32> to vector<16xi32>
      %swap3A_751 = vector.shape_cast %select_n3A_679 : vector<16xi32> to vector<1x16xi32>
      tpu.vector_store %arg7[%swap3A_747, %swap3A_748], %swap3A_751 {strides = array<i32>} : memref<2x128xi32, #tpu.memory_space<vmem>>, vector<1x16xi32>,
      %swap3A_752 = arith.constant 1 : i32
      %swap3A_753 = arith.index_cast %swap3A_752 : i32 to index
      %swap3A_754 = arith.constant 96 : index
      %swap3A_755 = tpu.vector_load %arg7[%swap3A_753, %swap3A_754] {strides = array<i32>} : memref<2x128xi32, #tpu.memory_space<vmem>>, vector<1x16xi32>,
      %swap3A_756 = vector.shape_cast %swap3A_755 : vector<1x16xi32> to vector<16xi32>
      %swap3A_757 = vector.shape_cast %select_n3A_696 : vector<16xi32> to vector<1x16xi32>
      tpu.vector_store %arg7[%swap3A_753, %swap3A_754], %swap3A_757 {strides = array<i32>} : memref<2x128xi32, #tpu.memory_space<vmem>>, vector<1x16xi32>,
      %get3A_758 = arith.constant 0 : i32
      %get3A_759 = arith.index_cast %get3A_758 : i32 to index
      %get3A_760 = arith.constant 112 : index
      %get3A_761 = tpu.vector_load %arg5[%get3A_759, %get3A_760] {strides = array<i32>} : memref<4x128xf32, #tpu.memory_space<vmem>>, vector<1x16xf32>,
      %get3A_762 = vector.shape_cast %get3A_761 : vector<1x16xf32> to vector<16xf32>
      %get3A_763 = arith.constant 1 : i32
      %get3A_764 = arith.index_cast %get3A_763 : i32 to index
      %get3A_765 = arith.constant 112 : index
      %get3A_766 = tpu.vector_load %arg5[%get3A_764, %get3A_765] {strides = array<i32>} : memref<4x128xf32, #tpu.memory_space<vmem>>, vector<1x16xf32>,
      %get3A_767 = vector.shape_cast %get3A_766 : vector<1x16xf32> to vector<16xf32>
      %get3A_768 = arith.constant 2 : i32
      %get3A_769 = arith.index_cast %get3A_768 : i32 to index
      %get3A_770 = arith.constant 112 : index
      %get3A_771 = tpu.vector_load %arg5[%get3A_769, %get3A_770] {strides = array<i32>} : memref<4x128xf32, #tpu.memory_space<vmem>>, vector<1x16xf32>,
      %get3A_772 = vector.shape_cast %get3A_771 : vector<1x16xf32> to vector<16xf32>
      %get3A_773 = arith.constant 3 : i32
      %get3A_774 = arith.index_cast %get3A_773 : i32 to index
      %get3A_775 = arith.constant 112 : index
      %get3A_776 = tpu.vector_load %arg5[%get3A_774, %get3A_775] {strides = array<i32>} : memref<4x128xf32, #tpu.memory_space<vmem>>, vector<1x16xf32>,
      %get3A_777 = vector.shape_cast %get3A_776 : vector<1x16xf32> to vector<16xf32>
      %max3A_778 = arith.maximumf %get3A_762, %get3A_767 : vector<16xf32>
      %max3A_779 = arith.maximumf %get3A_772, %get3A_777 : vector<16xf32>
      %max3A_780 = arith.maximumf %max3A_778, %max3A_779 : vector<16xf32>
      %eq3A_781 = arith.cmpf oeq, %get3A_762, %max3A_780 : vector<16xf32>
      %eq3A_782 = arith.cmpf oeq, %get3A_767, %max3A_780 : vector<16xf32>
      %eq3A_783 = arith.cmpf oeq, %get3A_772, %max3A_780 : vector<16xf32>
      %select_n3A_784 = arith.select %eq3A_783, %broadcast_in_dim3A_8, %broadcast_in_dim3A_10 : vector<16xi1>, vector<16xi32>
      %select_n3A_785 = arith.select %eq3A_782, %broadcast_in_dim3A_6, %select_n3A_784 : vector<16xi1>, vector<16xi32>
      %select_n3A_786 = arith.select %eq3A_781, %broadcast_in_dim3A_4, %select_n3A_785 : vector<16xi1>, vector<16xi32>
      %eq3A_787 = arith.cmpi eq, %select_n3A_786, %broadcast_in_dim3A_4 : vector<16xi32>
      %select_n3A_788 = arith.select %eq3A_787, %broadcast_in_dim3A_12, %get3A_762 : vector<16xi1>, vector<16xf32>
      %eq3A_789 = arith.cmpi eq, %select_n3A_786, %broadcast_in_dim3A_6 : vector<16xi32>
      %select_n3A_790 = arith.select %eq3A_789, %broadcast_in_dim3A_12, %get3A_767 : vector<16xi1>, vector<16xf32>
      %eq3A_791 = arith.cmpi eq, %select_n3A_786, %broadcast_in_dim3A_8 : vector<16xi32>
      %select_n3A_792 = arith.select %eq3A_791, %broadcast_in_dim3A_12, %get3A_772 : vector<16xi1>, vector<16xf32>
      %eq3A_793 = arith.cmpi eq, %select_n3A_786, %broadcast_in_dim3A_10 : vector<16xi32>
      %select_n3A_794 = arith.select %eq3A_793, %broadcast_in_dim3A_12, %get3A_777 : vector<16xi1>, vector<16xf32>
      %max3A_795 = arith.maximumf %select_n3A_788, %select_n3A_790 : vector<16xf32>
      %max3A_796 = arith.maximumf %select_n3A_792, %select_n3A_794 : vector<16xf32>
      %max3A_797 = arith.maximumf %max3A_795, %max3A_796 : vector<16xf32>
      %eq3A_798 = arith.cmpf oeq, %select_n3A_788, %max3A_797 : vector<16xf32>
      %eq3A_799 = arith.cmpf oeq, %select_n3A_790, %max3A_797 : vector<16xf32>
      %eq3A_800 = arith.cmpf oeq, %select_n3A_792, %max3A_797 : vector<16xf32>
      %select_n3A_801 = arith.select %eq3A_800, %broadcast_in_dim3A_8, %broadcast_in_dim3A_10 : vector<16xi1>, vector<16xi32>
      %select_n3A_802 = arith.select %eq3A_799, %broadcast_in_dim3A_6, %select_n3A_801 : vector<16xi1>, vector<16xi32>
      %select_n3A_803 = arith.select %eq3A_798, %broadcast_in_dim3A_4, %select_n3A_802 : vector<16xi1>, vector<16xi32>
      %sub3A_804 = arith.subf %max3A_797, %max3A_780 : vector<16xf32>
      %exp3A_805 = math.exp %sub3A_804 : vector<16xf32>
      %add3A_806 = arith.addf %broadcast_in_dim3A_16, %exp3A_805 : vector<16xf32>
      %div3A_807 = arith.divf %broadcast_in_dim3A_16, %add3A_806 : vector<16xf32>
      %div3A_808 = arith.divf %exp3A_805, %add3A_806 : vector<16xf32>
      %eq3A_809 = arith.cmpi eq, %broadcast_in_dim3A_4, %select_n3A_786 : vector<16xi32>
      %select_n3A_810 = arith.select %eq3A_809, %div3A_807, %broadcast_in_dim3A_14 : vector<16xi1>, vector<16xf32>
      %eq3A_811 = arith.cmpi eq, %broadcast_in_dim3A_4, %select_n3A_803 : vector<16xi32>
      %select_n3A_812 = arith.select %eq3A_811, %div3A_808, %broadcast_in_dim3A_14 : vector<16xi1>, vector<16xf32>
      %add3A_813 = arith.addf %select_n3A_810, %select_n3A_812 : vector<16xf32>
      %swap3A_814 = arith.constant 0 : i32
      %swap3A_815 = arith.index_cast %swap3A_814 : i32 to index
      %swap3A_816 = arith.constant 112 : index
      %swap3A_817 = tpu.vector_load %arg6[%swap3A_815, %swap3A_816] {strides = array<i32>} : memref<4x128xf32, #tpu.memory_space<vmem>>, vector<1x16xf32>,
      %swap3A_818 = vector.shape_cast %swap3A_817 : vector<1x16xf32> to vector<16xf32>
      %swap3A_819 = vector.shape_cast %add3A_813 : vector<16xf32> to vector<1x16xf32>
      tpu.vector_store %arg6[%swap3A_815, %swap3A_816], %swap3A_819 {strides = array<i32>} : memref<4x128xf32, #tpu.memory_space<vmem>>, vector<1x16xf32>,
      %eq3A_820 = arith.cmpi eq, %broadcast_in_dim3A_6, %select_n3A_786 : vector<16xi32>
      %select_n3A_821 = arith.select %eq3A_820, %div3A_807, %broadcast_in_dim3A_14 : vector<16xi1>, vector<16xf32>
      %eq3A_822 = arith.cmpi eq, %broadcast_in_dim3A_6, %select_n3A_803 : vector<16xi32>
      %select_n3A_823 = arith.select %eq3A_822, %div3A_808, %broadcast_in_dim3A_14 : vector<16xi1>, vector<16xf32>
      %add3A_824 = arith.addf %select_n3A_821, %select_n3A_823 : vector<16xf32>
      %swap3A_825 = arith.constant 1 : i32
      %swap3A_826 = arith.index_cast %swap3A_825 : i32 to index
      %swap3A_827 = arith.constant 112 : index
      %swap3A_828 = tpu.vector_load %arg6[%swap3A_826, %swap3A_827] {strides = array<i32>} : memref<4x128xf32, #tpu.memory_space<vmem>>, vector<1x16xf32>,
      %swap3A_829 = vector.shape_cast %swap3A_828 : vector<1x16xf32> to vector<16xf32>
      %swap3A_830 = vector.shape_cast %add3A_824 : vector<16xf32> to vector<1x16xf32>
      tpu.vector_store %arg6[%swap3A_826, %swap3A_827], %swap3A_830 {strides = array<i32>} : memref<4x128xf32, #tpu.memory_space<vmem>>, vector<1x16xf32>,
      %eq3A_831 = arith.cmpi eq, %broadcast_in_dim3A_8, %select_n3A_786 : vector<16xi32>
      %select_n3A_832 = arith.select %eq3A_831, %div3A_807, %broadcast_in_dim3A_14 : vector<16xi1>, vector<16xf32>
      %eq3A_833 = arith.cmpi eq, %broadcast_in_dim3A_8, %select_n3A_803 : vector<16xi32>
      %select_n3A_834 = arith.select %eq3A_833, %div3A_808, %broadcast_in_dim3A_14 : vector<16xi1>, vector<16xf32>
      %add3A_835 = arith.addf %select_n3A_832, %select_n3A_834 : vector<16xf32>
      %swap3A_836 = arith.constant 2 : i32
      %swap3A_837 = arith.index_cast %swap3A_836 : i32 to index
      %swap3A_838 = arith.constant 112 : index
      %swap3A_839 = tpu.vector_load %arg6[%swap3A_837, %swap3A_838] {strides = array<i32>} : memref<4x128xf32, #tpu.memory_space<vmem>>, vector<1x16xf32>,
      %swap3A_840 = vector.shape_cast %swap3A_839 : vector<1x16xf32> to vector<16xf32>
      %swap3A_841 = vector.shape_cast %add3A_835 : vector<16xf32> to vector<1x16xf32>
      tpu.vector_store %arg6[%swap3A_837, %swap3A_838], %swap3A_841 {strides = array<i32>} : memref<4x128xf32, #tpu.memory_space<vmem>>, vector<1x16xf32>,
      %eq3A_842 = arith.cmpi eq, %broadcast_in_dim3A_10, %select_n3A_786 : vector<16xi32>
      %select_n3A_843 = arith.select %eq3A_842, %div3A_807, %broadcast_in_dim3A_14 : vector<16xi1>, vector<16xf32>
      %eq3A_844 = arith.cmpi eq, %broadcast_in_dim3A_10, %select_n3A_803 : vector<16xi32>
      %select_n3A_845 = arith.select %eq3A_844, %div3A_808, %broadcast_in_dim3A_14 : vector<16xi1>, vector<16xf32>
      %add3A_846 = arith.addf %select_n3A_843, %select_n3A_845 : vector<16xf32>
      %swap3A_847 = arith.constant 3 : i32
      %swap3A_848 = arith.index_cast %swap3A_847 : i32 to index
      %swap3A_849 = arith.constant 112 : index
      %swap3A_850 = tpu.vector_load %arg6[%swap3A_848, %swap3A_849] {strides = array<i32>} : memref<4x128xf32, #tpu.memory_space<vmem>>, vector<1x16xf32>,
      %swap3A_851 = vector.shape_cast %swap3A_850 : vector<1x16xf32> to vector<16xf32>
      %swap3A_852 = vector.shape_cast %add3A_846 : vector<16xf32> to vector<1x16xf32>
      tpu.vector_store %arg6[%swap3A_848, %swap3A_849], %swap3A_852 {strides = array<i32>} : memref<4x128xf32, #tpu.memory_space<vmem>>, vector<1x16xf32>,
      %swap3A_853 = arith.constant 0 : i32
      %swap3A_854 = arith.index_cast %swap3A_853 : i32 to index
      %swap3A_855 = arith.constant 112 : index
      %swap3A_856 = tpu.vector_load %arg7[%swap3A_854, %swap3A_855] {strides = array<i32>} : memref<2x128xi32, #tpu.memory_space<vmem>>, vector<1x16xi32>,
      %swap3A_857 = vector.shape_cast %swap3A_856 : vector<1x16xi32> to vector<16xi32>
      %swap3A_858 = vector.shape_cast %select_n3A_786 : vector<16xi32> to vector<1x16xi32>
      tpu.vector_store %arg7[%swap3A_854, %swap3A_855], %swap3A_858 {strides = array<i32>} : memref<2x128xi32, #tpu.memory_space<vmem>>, vector<1x16xi32>,
      %swap3A_859 = arith.constant 1 : i32
      %swap3A_860 = arith.index_cast %swap3A_859 : i32 to index
      %swap3A_861 = arith.constant 112 : index
      %swap3A_862 = tpu.vector_load %arg7[%swap3A_860, %swap3A_861] {strides = array<i32>} : memref<2x128xi32, #tpu.memory_space<vmem>>, vector<1x16xi32>,
      %swap3A_863 = vector.shape_cast %swap3A_862 : vector<1x16xi32> to vector<16xi32>
      %swap3A_864 = vector.shape_cast %select_n3A_803 : vector<16xi32> to vector<1x16xi32>
      tpu.vector_store %arg7[%swap3A_860, %swap3A_861], %swap3A_864 {strides = array<i32>} : memref<2x128xi32, #tpu.memory_space<vmem>>, vector<1x16xi32>,
      "tpu.region"() ({
        %run_scoped3A = tpu.sem_alloc : memref<!tpu.dma_semaphore, #tpu.memory_space<semaphore_mem>>
        tpu.enqueue_dma source(%arg6 : memref<4x128xf32, #tpu.memory_space<vmem>>) target(%arg3 : memref<4x128xf32, #tpu.memory_space<hbm>>) target_semaphore(%run_scoped3A : memref<!tpu.dma_semaphore, #tpu.memory_space<semaphore_mem>>)
        tpu.wait_dma2 semaphore(%run_scoped3A : memref<!tpu.dma_semaphore, #tpu.memory_space<semaphore_mem>>) src(%arg6 : memref<4x128xf32, #tpu.memory_space<vmem>>) dst(%arg3 : memref<4x128xf32, #tpu.memory_space<hbm>>)
        tpu.yield
      }) : () -> ()
      "tpu.region"() ({
        %run_scoped3A = tpu.sem_alloc : memref<!tpu.dma_semaphore, #tpu.memory_space<semaphore_mem>>
        tpu.enqueue_dma source(%arg7 : memref<2x128xi32, #tpu.memory_space<vmem>>) target(%arg4 : memref<2x128xi32, #tpu.memory_space<hbm>>) target_semaphore(%run_scoped3A : memref<!tpu.dma_semaphore, #tpu.memory_space<semaphore_mem>>)
        tpu.wait_dma2 semaphore(%run_scoped3A : memref<!tpu.dma_semaphore, #tpu.memory_space<semaphore_mem>>) src(%arg7 : memref<2x128xi32, #tpu.memory_space<vmem>>) dst(%arg4 : memref<2x128xi32, #tpu.memory_space<hbm>>)
        tpu.yield
      }) : () -> ()
    } else {
    }
    return
  }
}

module attributes {stable_mosaic.version = 14 : i64} {
  func.func @_enc_kernel(%arg0: memref<128x978xf32, #tpu.memory_space<vmem>>, %arg1: memref<128x6xf32, #tpu.memory_space<vmem>>, %arg2: memref<128x128xf32, #tpu.memory_space<vmem>>, %arg3: memref<978x200xf32, #tpu.memory_space<vmem>>, %arg4: memref<200x1xf32, #tpu.memory_space<vmem>>, %arg5: memref<200x100xf32, #tpu.memory_space<vmem>>, %arg6: memref<100x1xf32, #tpu.memory_space<vmem>>, %arg7: memref<100x50xf32, #tpu.memory_space<vmem>>, %arg8: memref<50x1xf32, #tpu.memory_space<vmem>>, %arg9: memref<6x64xf32, #tpu.memory_space<vmem>>, %arg10: memref<64x1xf32, #tpu.memory_space<vmem>>, %arg11: memref<64x128xf32, #tpu.memory_space<vmem>>, %arg12: memref<128x1xf32, #tpu.memory_space<vmem>>, %arg13: memref<128x128xf32, #tpu.memory_space<vmem>>, %arg14: memref<50x128xf32, #tpu.memory_space<vmem>>, %arg15: memref<128x128xf32, #tpu.memory_space<vmem>>, %arg16: memref<128x1xf32, #tpu.memory_space<vmem>>, %arg17: memref<128x4xf32, #tpu.memory_space<vmem>>, %arg18: memref<4x1xf32, #tpu.memory_space<vmem>>, %arg19: memref<50x128xf32, #tpu.memory_space<vmem>>, %arg20: memref<128x128xf32, #tpu.memory_space<vmem>>, %arg21: memref<4x128xf32, #tpu.memory_space<vmem>>) attributes {dimension_semantics = [], scalar_prefetch = 0 : i64, scratch_operands = 0 : i64, tpu.core_type = #tpu.core_type<tc>} {
    %get3A = arith.constant 0 : index
    %get3A_0 = arith.constant 0 : index
    %get3A_1 = vector.load %arg3[%get3A, %get3A_0] : memref<978x200xf32, #tpu.memory_space<vmem>>, vector<978x200xf32>
    %get3A_2 = arith.constant 0 : index
    %get3A_3 = arith.constant 0 : index
    %get3A_4 = vector.load %arg0[%get3A_2, %get3A_3] : memref<128x978xf32, #tpu.memory_space<vmem>>, vector<128x978xf32>
    %dot_general3A = arith.constant dense<0.000000e+00> : vector<200x128xf32>
    %dot_general3A_5 = tpu.matmul %get3A_1, %get3A_4, %dot_general3A {dimension_numbers = #tpu.dot_dimension_numbers<[0], [1], [1], [0], [0, 1, 1, 0], [], []>, transpose_lhs_hint = false} : vector<978x200xf32>, vector<128x978xf32>, vector<200x128xf32> -> vector<200x128xf32>
    %get3A_6 = arith.constant 0 : index
    %get3A_7 = arith.constant 0 : index
    %get3A_8 = vector.load %arg4[%get3A_6, %get3A_7] : memref<200x1xf32, #tpu.memory_space<vmem>>, vector<200x1xf32>
    %add3A = vector.broadcast %get3A_8 : vector<200x1xf32> to vector<200x128xf32>
    %add3A_9 = arith.addf %dot_general3A_5, %add3A : vector<200x128xf32>
    %max3A = arith.constant 0.000000e+00 : f32
    %max3A_10 = vector.broadcast %max3A : f32 to vector<200x128xf32>
    %max3A_11 = arith.maximumf %add3A_9, %max3A_10 : vector<200x128xf32>
    %get3A_12 = arith.constant 0 : index
    %get3A_13 = arith.constant 0 : index
    %get3A_14 = vector.load %arg5[%get3A_12, %get3A_13] : memref<200x100xf32, #tpu.memory_space<vmem>>, vector<200x100xf32>
    %dot_general3A_15 = arith.constant dense<0.000000e+00> : vector<100x128xf32>
    %dot_general3A_16 = tpu.matmul %get3A_14, %max3A_11, %dot_general3A_15 {dimension_numbers = #tpu.dot_dimension_numbers<[0], [0], [1], [1], [0, 1, 1, 1], [], []>, transpose_lhs_hint = false} : vector<200x100xf32>, vector<200x128xf32>, vector<100x128xf32> -> vector<100x128xf32>
    %get3A_17 = arith.constant 0 : index
    %get3A_18 = arith.constant 0 : index
    %get3A_19 = vector.load %arg6[%get3A_17, %get3A_18] : memref<100x1xf32, #tpu.memory_space<vmem>>, vector<100x1xf32>
    %add3A_20 = vector.broadcast %get3A_19 : vector<100x1xf32> to vector<100x128xf32>
    %add3A_21 = arith.addf %dot_general3A_16, %add3A_20 : vector<100x128xf32>
    %max3A_22 = arith.constant 0.000000e+00 : f32
    %max3A_23 = vector.broadcast %max3A_22 : f32 to vector<100x128xf32>
    %max3A_24 = arith.maximumf %add3A_21, %max3A_23 : vector<100x128xf32>
    %get3A_25 = arith.constant 0 : index
    %get3A_26 = arith.constant 0 : index
    %get3A_27 = vector.load %arg7[%get3A_25, %get3A_26] : memref<100x50xf32, #tpu.memory_space<vmem>>, vector<100x50xf32>
    %dot_general3A_28 = arith.constant dense<0.000000e+00> : vector<50x128xf32>
    %dot_general3A_29 = tpu.matmul %get3A_27, %max3A_24, %dot_general3A_28 {dimension_numbers = #tpu.dot_dimension_numbers<[0], [0], [1], [1], [0, 1, 1, 1], [], []>, transpose_lhs_hint = false} : vector<100x50xf32>, vector<100x128xf32>, vector<50x128xf32> -> vector<50x128xf32>
    %get3A_30 = arith.constant 0 : index
    %get3A_31 = arith.constant 0 : index
    %get3A_32 = vector.load %arg8[%get3A_30, %get3A_31] : memref<50x1xf32, #tpu.memory_space<vmem>>, vector<50x1xf32>
    %add3A_33 = vector.broadcast %get3A_32 : vector<50x1xf32> to vector<50x128xf32>
    %add3A_34 = arith.addf %dot_general3A_29, %add3A_33 : vector<50x128xf32>
    %max3A_35 = arith.constant 0.000000e+00 : f32
    %max3A_36 = vector.broadcast %max3A_35 : f32 to vector<50x128xf32>
    %max3A_37 = arith.maximumf %add3A_34, %max3A_36 : vector<50x128xf32>
    %swap3A = arith.constant 0 : index
    %swap3A_38 = arith.constant 0 : index
    %swap3A_39 = vector.load %arg19[%swap3A, %swap3A_38] : memref<50x128xf32, #tpu.memory_space<vmem>>, vector<50x128xf32>
    tpu.vector_store %arg19[%swap3A, %swap3A_38], %max3A_37 {strides = array<i32>} : memref<50x128xf32, #tpu.memory_space<vmem>>, vector<50x128xf32>,
    %get3A_40 = arith.constant 0 : index
    %get3A_41 = arith.constant 0 : index
    %get3A_42 = vector.load %arg9[%get3A_40, %get3A_41] : memref<6x64xf32, #tpu.memory_space<vmem>>, vector<6x64xf32>
    %get3A_43 = arith.constant 0 : index
    %get3A_44 = arith.constant 0 : index
    %get3A_45 = vector.load %arg1[%get3A_43, %get3A_44] : memref<128x6xf32, #tpu.memory_space<vmem>>, vector<128x6xf32>
    %dot_general3A_46 = arith.constant dense<0.000000e+00> : vector<64x128xf32>
    %dot_general3A_47 = tpu.matmul %get3A_42, %get3A_45, %dot_general3A_46 {dimension_numbers = #tpu.dot_dimension_numbers<[0], [1], [1], [0], [0, 1, 1, 0], [], []>, transpose_lhs_hint = false} : vector<6x64xf32>, vector<128x6xf32>, vector<64x128xf32> -> vector<64x128xf32>
    %get3A_48 = arith.constant 0 : index
    %get3A_49 = arith.constant 0 : index
    %get3A_50 = vector.load %arg10[%get3A_48, %get3A_49] : memref<64x1xf32, #tpu.memory_space<vmem>>, vector<64x1xf32>
    %add3A_51 = vector.broadcast %get3A_50 : vector<64x1xf32> to vector<64x128xf32>
    %add3A_52 = arith.addf %dot_general3A_47, %add3A_51 : vector<64x128xf32>
    %max3A_53 = arith.constant 0.000000e+00 : f32
    %max3A_54 = vector.broadcast %max3A_53 : f32 to vector<64x128xf32>
    %max3A_55 = arith.maximumf %add3A_52, %max3A_54 : vector<64x128xf32>
    %get3A_56 = arith.constant 0 : index
    %get3A_57 = arith.constant 0 : index
    %get3A_58 = vector.load %arg11[%get3A_56, %get3A_57] : memref<64x128xf32, #tpu.memory_space<vmem>>, vector<64x128xf32>
    %dot_general3A_59 = arith.constant dense<0.000000e+00> : vector<128x128xf32>
    %dot_general3A_60 = tpu.matmul %get3A_58, %max3A_55, %dot_general3A_59 {dimension_numbers = #tpu.dot_dimension_numbers<[0], [0], [1], [1], [0, 1, 1, 1], [], []>, transpose_lhs_hint = false} : vector<64x128xf32>, vector<64x128xf32>, vector<128x128xf32> -> vector<128x128xf32>
    %get3A_61 = arith.constant 0 : index
    %get3A_62 = arith.constant 0 : index
    %get3A_63 = vector.load %arg12[%get3A_61, %get3A_62] : memref<128x1xf32, #tpu.memory_space<vmem>>, vector<128x1xf32>
    %add3A_64 = vector.broadcast %get3A_63 : vector<128x1xf32> to vector<128x128xf32>
    %add3A_65 = arith.addf %dot_general3A_60, %add3A_64 : vector<128x128xf32>
    %max3A_66 = arith.constant 0.000000e+00 : f32
    %max3A_67 = vector.broadcast %max3A_66 : f32 to vector<128x128xf32>
    %max3A_68 = arith.maximumf %add3A_65, %max3A_67 : vector<128x128xf32>
    %swap3A_69 = arith.constant 0 : index
    %swap3A_70 = arith.constant 0 : index
    %swap3A_71 = vector.load %arg20[%swap3A_69, %swap3A_70] : memref<128x128xf32, #tpu.memory_space<vmem>>, vector<128x128xf32>
    tpu.vector_store %arg20[%swap3A_69, %swap3A_70], %max3A_68 {strides = array<i32>} : memref<128x128xf32, #tpu.memory_space<vmem>>, vector<128x128xf32>,
    %get3A_72 = arith.constant 0 : index
    %get3A_73 = arith.constant 0 : index
    %get3A_74 = vector.load %arg13[%get3A_72, %get3A_73] : memref<128x128xf32, #tpu.memory_space<vmem>>, vector<128x128xf32>
    %get3A_75 = arith.constant 0 : index
    %get3A_76 = arith.constant 0 : index
    %get3A_77 = vector.load %arg2[%get3A_75, %get3A_76] : memref<128x128xf32, #tpu.memory_space<vmem>>, vector<128x128xf32>
    %dot_general3A_78 = arith.constant dense<0.000000e+00> : vector<128x128xf32>
    %dot_general3A_79 = tpu.matmul %get3A_74, %get3A_77, %dot_general3A_78 {dimension_numbers = #tpu.dot_dimension_numbers<[0], [1], [1], [0], [0, 1, 1, 0], [], []>, transpose_lhs_hint = false} : vector<128x128xf32>, vector<128x128xf32>, vector<128x128xf32> -> vector<128x128xf32>
    %get3A_80 = arith.constant 0 : index
    %get3A_81 = arith.constant 0 : index
    %get3A_82 = vector.load %arg14[%get3A_80, %get3A_81] : memref<50x128xf32, #tpu.memory_space<vmem>>, vector<50x128xf32>
    %dot_general3A_83 = arith.constant dense<0.000000e+00> : vector<128x128xf32>
    %dot_general3A_84 = tpu.matmul %get3A_82, %max3A_37, %dot_general3A_83 {dimension_numbers = #tpu.dot_dimension_numbers<[0], [0], [1], [1], [0, 1, 1, 1], [], []>, transpose_lhs_hint = false} : vector<50x128xf32>, vector<50x128xf32>, vector<128x128xf32> -> vector<128x128xf32>
    %add3A_85 = arith.addf %dot_general3A_79, %dot_general3A_84 : vector<128x128xf32>
    %get3A_86 = arith.constant 0 : index
    %get3A_87 = arith.constant 0 : index
    %get3A_88 = vector.load %arg15[%get3A_86, %get3A_87] : memref<128x128xf32, #tpu.memory_space<vmem>>, vector<128x128xf32>
    %dot_general3A_89 = arith.constant dense<0.000000e+00> : vector<128x128xf32>
    %dot_general3A_90 = tpu.matmul %get3A_88, %max3A_68, %dot_general3A_89 {dimension_numbers = #tpu.dot_dimension_numbers<[0], [0], [1], [1], [0, 1, 1, 1], [], []>, transpose_lhs_hint = false} : vector<128x128xf32>, vector<128x128xf32>, vector<128x128xf32> -> vector<128x128xf32>
    %add3A_91 = arith.addf %add3A_85, %dot_general3A_90 : vector<128x128xf32>
    %get3A_92 = arith.constant 0 : index
    %get3A_93 = arith.constant 0 : index
    %get3A_94 = vector.load %arg16[%get3A_92, %get3A_93] : memref<128x1xf32, #tpu.memory_space<vmem>>, vector<128x1xf32>
    %add3A_95 = vector.broadcast %get3A_94 : vector<128x1xf32> to vector<128x128xf32>
    %add3A_96 = arith.addf %add3A_91, %add3A_95 : vector<128x128xf32>
    %max3A_97 = arith.constant 0.000000e+00 : f32
    %max3A_98 = vector.broadcast %max3A_97 : f32 to vector<128x128xf32>
    %max3A_99 = arith.maximumf %add3A_96, %max3A_98 : vector<128x128xf32>
    %get3A_100 = arith.constant 0 : index
    %get3A_101 = arith.constant 0 : index
    %get3A_102 = vector.load %arg17[%get3A_100, %get3A_101] : memref<128x4xf32, #tpu.memory_space<vmem>>, vector<128x4xf32>
    %dot_general3A_103 = arith.constant dense<0.000000e+00> : vector<4x128xf32>
    %dot_general3A_104 = tpu.matmul %get3A_102, %max3A_99, %dot_general3A_103 {dimension_numbers = #tpu.dot_dimension_numbers<[0], [0], [1], [1], [0, 1, 1, 1], [], []>, transpose_lhs_hint = false} : vector<128x4xf32>, vector<128x128xf32>, vector<4x128xf32> -> vector<4x128xf32>
    %get3A_105 = arith.constant 0 : index
    %get3A_106 = arith.constant 0 : index
    %get3A_107 = vector.load %arg18[%get3A_105, %get3A_106] : memref<4x1xf32, #tpu.memory_space<vmem>>, vector<4x1xf32>
    %add3A_108 = vector.broadcast %get3A_107 : vector<4x1xf32> to vector<4x128xf32>
    %add3A_109 = arith.addf %dot_general3A_104, %add3A_108 : vector<4x128xf32>
    %swap3A_110 = arith.constant 0 : index
    %swap3A_111 = arith.constant 0 : index
    %swap3A_112 = vector.load %arg21[%swap3A_110, %swap3A_111] : memref<4x128xf32, #tpu.memory_space<vmem>>, vector<4x128xf32>
    tpu.vector_store %arg21[%swap3A_110, %swap3A_111], %add3A_109 {strides = array<i32>} : memref<4x128xf32, #tpu.memory_space<vmem>>, vector<4x128xf32>,
    return
  }
}

module attributes {stable_mosaic.version = 14 : i64} {
  func.func @_tail_kernel(%arg0: memref<2x128xi32, #tpu.memory_space<smem>>, %arg1: memref<4x128xf32, #tpu.memory_space<vmem>>, %arg2: memref<50x128xf32, #tpu.memory_space<vmem>>, %arg3: memref<128x128xf32, #tpu.memory_space<vmem>>, %arg4: memref<128x128xf32, #tpu.memory_space<vmem>>, %arg5: memref<978x128xf32, #tpu.memory_space<vmem>>, %arg6: memref<128x512xf32, #tpu.memory_space<vmem>>, %arg7: memref<50x512xf32, #tpu.memory_space<vmem>>, %arg8: memref<128x512xf32, #tpu.memory_space<vmem>>, %arg9: memref<512x1xf32, #tpu.memory_space<vmem>>, %arg10: memref<128x512xf32, #tpu.memory_space<vmem>>, %arg11: memref<4x512xf32, #tpu.memory_space<vmem>>, %arg12: memref<4x1xf32, #tpu.memory_space<vmem>>, %arg13: memref<128x978xf32, #tpu.memory_space<vmem>>, %arg14: memref<512x128xf32, #tpu.memory_space<vmem>>, %arg15: memref<512x978xbf16, #tpu.memory_space<vmem>>, %arg16: memref<128x512xf32, #tpu.memory_space<vmem>>, %arg17: memref<128x1xf32, #tpu.memory_space<vmem>>) attributes {dimension_semantics = [], scalar_prefetch = 0 : i64, scratch_operands = 4 : i64, tpu.core_type = #tpu.core_type<tc>} {
    %get3A = arith.constant 0 : index
    %get3A_0 = arith.constant 0 : index
    %get3A_1 = vector.load %arg1[%get3A, %get3A_0] : memref<4x128xf32, #tpu.memory_space<vmem>>, vector<4x128xf32>
    %get3A_2 = arith.constant 0 : index
    %get3A_3 = arith.constant 0 : index
    %get3A_4 = vector.load %arg6[%get3A_2, %get3A_3] : memref<128x512xf32, #tpu.memory_space<vmem>>, vector<128x512xf32>
    %get3A_5 = arith.constant 0 : index
    %get3A_6 = arith.constant 0 : index
    %get3A_7 = vector.load %arg4[%get3A_5, %get3A_6] : memref<128x128xf32, #tpu.memory_space<vmem>>, vector<128x128xf32>
    %dot_general3A = arith.constant dense<0.000000e+00> : vector<512x128xf32>
    %dot_general3A_8 = tpu.matmul %get3A_4, %get3A_7, %dot_general3A {dimension_numbers = #tpu.dot_dimension_numbers<[0], [1], [1], [0], [0, 1, 1, 0], [], []>, transpose_lhs_hint = false} : vector<128x512xf32>, vector<128x128xf32>, vector<512x128xf32> -> vector<512x128xf32>
    %get3A_9 = arith.constant 0 : index
    %get3A_10 = arith.constant 0 : index
    %get3A_11 = vector.load %arg7[%get3A_9, %get3A_10] : memref<50x512xf32, #tpu.memory_space<vmem>>, vector<50x512xf32>
    %get3A_12 = arith.constant 0 : index
    %get3A_13 = arith.constant 0 : index
    %get3A_14 = vector.load %arg2[%get3A_12, %get3A_13] : memref<50x128xf32, #tpu.memory_space<vmem>>, vector<50x128xf32>
    %dot_general3A_15 = arith.constant dense<0.000000e+00> : vector<512x128xf32>
    %dot_general3A_16 = tpu.matmul %get3A_11, %get3A_14, %dot_general3A_15 {dimension_numbers = #tpu.dot_dimension_numbers<[0], [0], [1], [1], [0, 1, 1, 1], [], []>, transpose_lhs_hint = false} : vector<50x512xf32>, vector<50x128xf32>, vector<512x128xf32> -> vector<512x128xf32>
    %add3A = arith.addf %dot_general3A_8, %dot_general3A_16 : vector<512x128xf32>
    %get3A_17 = arith.constant 0 : index
    %get3A_18 = arith.constant 0 : index
    %get3A_19 = vector.load %arg8[%get3A_17, %get3A_18] : memref<128x512xf32, #tpu.memory_space<vmem>>, vector<128x512xf32>
    %get3A_20 = arith.constant 0 : index
    %get3A_21 = arith.constant 0 : index
    %get3A_22 = vector.load %arg3[%get3A_20, %get3A_21] : memref<128x128xf32, #tpu.memory_space<vmem>>, vector<128x128xf32>
    %dot_general3A_23 = arith.constant dense<0.000000e+00> : vector<512x128xf32>
    %dot_general3A_24 = tpu.matmul %get3A_19, %get3A_22, %dot_general3A_23 {dimension_numbers = #tpu.dot_dimension_numbers<[0], [0], [1], [1], [0, 1, 1, 1], [], []>, transpose_lhs_hint = false} : vector<128x512xf32>, vector<128x128xf32>, vector<512x128xf32> -> vector<512x128xf32>
    %add3A_25 = arith.addf %add3A, %dot_general3A_24 : vector<512x128xf32>
    %get3A_26 = arith.constant 0 : index
    %get3A_27 = arith.constant 0 : index
    %get3A_28 = vector.load %arg9[%get3A_26, %get3A_27] : memref<512x1xf32, #tpu.memory_space<vmem>>, vector<512x1xf32>
    %add3A_29 = vector.broadcast %get3A_28 : vector<512x1xf32> to vector<512x128xf32>
    %add3A_30 = arith.addf %add3A_25, %add3A_29 : vector<512x128xf32>
    %swap3A = arith.constant 0 : index
    %swap3A_31 = arith.constant 0 : index
    %swap3A_32 = vector.load %arg14[%swap3A, %swap3A_31] : memref<512x128xf32, #tpu.memory_space<vmem>>, vector<512x128xf32>
    tpu.vector_store %arg14[%swap3A, %swap3A_31], %add3A_30 {strides = array<i32>} : memref<512x128xf32, #tpu.memory_space<vmem>>, vector<512x128xf32>,
    %get3A_33 = arith.constant 0 : index
    %get3A_34 = arith.constant 0 : index
    %get3A_35 = vector.load %arg10[%get3A_33, %get3A_34] : memref<128x512xf32, #tpu.memory_space<vmem>>, vector<128x512xf32>
    %get3A_36 = arith.constant 0 : index
    %get3A_37 = arith.constant 0 : index
    %get3A_38 = vector.load %arg5[%get3A_36, %get3A_37] : memref<978x128xf32, #tpu.memory_space<vmem>>, vector<978x128xf32>
    %dot_general3A_39 = arith.constant dense<0.000000e+00> : vector<512x978xf32>
    %dot_general3A_40 = tpu.matmul %get3A_35, %get3A_38, %dot_general3A_39 {dimension_numbers = #tpu.dot_dimension_numbers<[0], [1], [1], [0], [0, 1, 1, 0], [], []>, transpose_lhs_hint = false} : vector<128x512xf32>, vector<978x128xf32>, vector<512x978xf32> -> vector<512x978xf32>
    %convert_element_type3A = arith.truncf %dot_general3A_40 : vector<512x978xf32> to vector<512x978xbf16>
    %swap3A_41 = arith.constant 0 : index
    %swap3A_42 = arith.constant 0 : index
    %swap3A_43 = vector.load %arg15[%swap3A_41, %swap3A_42] : memref<512x978xbf16, #tpu.memory_space<vmem>>, vector<512x978xbf16>
    tpu.vector_store %arg15[%swap3A_41, %swap3A_42], %convert_element_type3A {strides = array<i32>} : memref<512x978xbf16, #tpu.memory_space<vmem>>, vector<512x978xbf16>,
    %get3A_44 = arith.constant 0 : index
    %get3A_45 = arith.constant 0 : index
    %get3A_46 = vector.load %arg11[%get3A_44, %get3A_45] : memref<4x512xf32, #tpu.memory_space<vmem>>, vector<4x512xf32>
    %dot_general3A_47 = arith.constant dense<0.000000e+00> : vector<128x512xf32>
    %dot_general3A_48 = tpu.matmul %get3A_1, %get3A_46, %dot_general3A_47 {dimension_numbers = #tpu.dot_dimension_numbers<[0], [0], [1], [1], [0, 1, 1, 1], [], []>, transpose_lhs_hint = false} : vector<4x128xf32>, vector<4x512xf32>, vector<128x512xf32> -> vector<128x512xf32>
    %swap3A_49 = arith.constant 0 : index
    %swap3A_50 = arith.constant 0 : index
    %swap3A_51 = vector.load %arg16[%swap3A_49, %swap3A_50] : memref<128x512xf32, #tpu.memory_space<vmem>>, vector<128x512xf32>
    tpu.vector_store %arg16[%swap3A_49, %swap3A_50], %dot_general3A_48 {strides = array<i32>} : memref<128x512xf32, #tpu.memory_space<vmem>>, vector<128x512xf32>,
    %get3A_52 = arith.constant 0 : index
    %get3A_53 = arith.constant 0 : index
    %get3A_54 = vector.load %arg12[%get3A_52, %get3A_53] : memref<4x1xf32, #tpu.memory_space<vmem>>, vector<4x1xf32>
    %dot_general3A_55 = arith.constant dense<0.000000e+00> : vector<128x1xf32>
    %dot_general3A_56 = tpu.matmul %get3A_1, %get3A_54, %dot_general3A_55 {dimension_numbers = #tpu.dot_dimension_numbers<[0], [0], [1], [1], [0, 1, 1, 1], [], []>, transpose_lhs_hint = false} : vector<4x128xf32>, vector<4x1xf32>, vector<128x1xf32> -> vector<128x1xf32>
    %swap3A_57 = arith.constant 0 : index
    %swap3A_58 = arith.constant 0 : index
    %swap3A_59 = vector.load %arg17[%swap3A_57, %swap3A_58] : memref<128x1xf32, #tpu.memory_space<vmem>>, vector<128x1xf32>
    tpu.vector_store %arg17[%swap3A_57, %swap3A_58], %dot_general3A_56 {strides = array<i32>} : memref<128x1xf32, #tpu.memory_space<vmem>>, vector<128x1xf32>,
    %scan3A = arith.constant 0 : i32
    %scan3A_60 = arith.constant 128 : i32
    %scan3A_61 = arith.addi %scan3A, %scan3A_60 : i32
    %scan3A_62 = arith.constant 2 : i32
    scf.for %scan3A_64 = %scan3A to %scan3A_61 step %scan3A_62  : i32 {
      %get3A_65 = arith.constant 0 : index
      %get3A_66 = arith.index_cast %scan3A_64 : i32 to index
      %get3A_67 = memref.load %arg0[%get3A_65, %get3A_66] : memref<2x128xi32, #tpu.memory_space<smem>>
      %get3A_68 = arith.constant 1 : index
      %get3A_69 = arith.index_cast %scan3A_64 : i32 to index
      %get3A_70 = memref.load %arg0[%get3A_68, %get3A_69] : memref<2x128xi32, #tpu.memory_space<smem>>
      %mul3A = arith.constant 128 : i32
      %mul3A_71 = arith.muli %get3A_67, %mul3A : i32
      %multiple_of3A = tpu.assume_multiple %mul3A_71, 128 : i32
      %mul3A_72 = arith.constant 128 : i32
      %mul3A_73 = arith.muli %get3A_70, %mul3A_72 : i32
      %multiple_of3A_74 = tpu.assume_multiple %mul3A_73, 128 : i32
      %sub3A = arith.constant 128 : i32
      %sub3A_75 = arith.subi %sub3A, %scan3A_64 : i32
      %get3A_76 = arith.index_cast %multiple_of3A : i32 to index
      %get3A_77 = arith.constant 0 : index
      %get3A_78 = vector.load %arg14[%get3A_76, %get3A_77] : memref<512x128xf32, #tpu.memory_space<vmem>>, vector<128x128xf32>
      %roll3A = tpu.dynamic_rotate %get3A_78 by %sub3A_75 dim 1 : vector<128x128xf32>, i32 -> vector<128x128xf32>
      %slice3A = vector.extract_strided_slice %roll3A {offsets = [0, 0], sizes = [128, 1], strides = [1, 1]} : vector<128x128xf32> to vector<128x1xf32>
      %convert_element_type3A_79 = arith.truncf %slice3A : vector<128x1xf32> to vector<128x1xbf16>
      %get3A_80 = arith.index_cast %multiple_of3A_74 : i32 to index
      %get3A_81 = arith.constant 0 : index
      %get3A_82 = vector.load %arg14[%get3A_80, %get3A_81] : memref<512x128xf32, #tpu.memory_space<vmem>>, vector<128x128xf32>
      %roll3A_83 = tpu.dynamic_rotate %get3A_82 by %sub3A_75 dim 1 : vector<128x128xf32>, i32 -> vector<128x128xf32>
      %slice3A_84 = vector.extract_strided_slice %roll3A_83 {offsets = [0, 0], sizes = [128, 1], strides = [1, 1]} : vector<128x128xf32> to vector<128x1xf32>
      %convert_element_type3A_85 = arith.truncf %slice3A_84 : vector<128x1xf32> to vector<128x1xbf16>
      %get3A_86 = arith.index_cast %multiple_of3A : i32 to index
      %get3A_87 = arith.constant 0 : index
      %get3A_88 = vector.load %arg15[%get3A_86, %get3A_87] : memref<512x978xbf16, #tpu.memory_space<vmem>>, vector<128x978xbf16>
      %add3A_89 = vector.broadcast %convert_element_type3A_79 : vector<128x1xbf16> to vector<128x978xbf16>
      %add3A_90 = arith.addf %get3A_88, %add3A_89 : vector<128x978xbf16>
      %max3A = arith.constant 0.000000e+00 : bf16
      %max3A_91 = vector.broadcast %max3A : bf16 to vector<128x978xbf16>
      %max3A_92 = arith.maximumf %add3A_90, %max3A_91 : vector<128x978xbf16>
      %get3A_93 = arith.index_cast %multiple_of3A_74 : i32 to index
      %get3A_94 = arith.constant 0 : index
      %get3A_95 = vector.load %arg15[%get3A_93, %get3A_94] : memref<512x978xbf16, #tpu.memory_space<vmem>>, vector<128x978xbf16>
      %add3A_96 = vector.broadcast %convert_element_type3A_85 : vector<128x1xbf16> to vector<128x978xbf16>
      %add3A_97 = arith.addf %get3A_95, %add3A_96 : vector<128x978xbf16>
      %max3A_98 = arith.constant 0.000000e+00 : bf16
      %max3A_99 = vector.broadcast %max3A_98 : bf16 to vector<128x978xbf16>
      %max3A_100 = arith.maximumf %add3A_97, %max3A_99 : vector<128x978xbf16>
      %get3A_101 = arith.index_cast %scan3A_64 : i32 to index
      %get3A_102 = arith.constant 0 : index
      %get3A_103 = vector.load %arg16[%get3A_101, %get3A_102] : memref<128x512xf32, #tpu.memory_space<vmem>>, vector<1x512xf32>
      %convert_element_type3A_104 = arith.truncf %get3A_103 : vector<1x512xf32> to vector<1x512xbf16>
      %mul3A_105 = arith.constant 128 : i32
      %mul3A_106 = arith.muli %get3A_67, %mul3A_105 : i32
      %sub3A_107 = arith.constant 512 : i32
      %sub3A_108 = arith.subi %sub3A_107, %mul3A_106 : i32
      %roll3A_109 = tpu.dynamic_rotate %convert_element_type3A_104 by %sub3A_108 dim 1 : vector<1x512xbf16>, i32 -> vector<1x512xbf16>
      %slice3A_110 = vector.extract_strided_slice %roll3A_109 {offsets = [0, 0], sizes = [1, 128], strides = [1, 1]} : vector<1x512xbf16> to vector<1x128xbf16>
      %mul3A_111 = arith.constant 128 : i32
      %mul3A_112 = arith.muli %get3A_70, %mul3A_111 : i32
      %sub3A_113 = arith.constant 512 : i32
      %sub3A_114 = arith.subi %sub3A_113, %mul3A_112 : i32
      %roll3A_115 = tpu.dynamic_rotate %convert_element_type3A_104 by %sub3A_114 dim 1 : vector<1x512xbf16>, i32 -> vector<1x512xbf16>
      %slice3A_116 = vector.extract_strided_slice %roll3A_115 {offsets = [0, 0], sizes = [1, 128], strides = [1, 1]} : vector<1x512xbf16> to vector<1x128xbf16>
      %dot_general3A_117 = arith.constant dense<0.000000e+00> : vector<1x978xf32>
      %dot_general3A_118 = tpu.matmul %slice3A_110, %max3A_92, %dot_general3A_117 {dimension_numbers = #tpu.dot_dimension_numbers<[1], [0], [0], [1], [0, 0, 1, 1], [], []>, transpose_lhs_hint = false} : vector<1x128xbf16>, vector<128x978xbf16>, vector<1x978xf32> -> vector<1x978xf32>
      %dot_general3A_119 = arith.constant dense<0.000000e+00> : vector<1x978xf32>
      %dot_general3A_120 = tpu.matmul %slice3A_116, %max3A_100, %dot_general3A_119 {dimension_numbers = #tpu.dot_dimension_numbers<[1], [0], [0], [1], [0, 0, 1, 1], [], []>, transpose_lhs_hint = false} : vector<1x128xbf16>, vector<128x978xbf16>, vector<1x978xf32> -> vector<1x978xf32>
      %add3A_121 = arith.addf %dot_general3A_118, %dot_general3A_120 : vector<1x978xf32>
      %get3A_122 = arith.index_cast %scan3A_64 : i32 to index
      %get3A_123 = arith.constant 0 : index
      %get3A_124 = vector.load %arg17[%get3A_122, %get3A_123] : memref<128x1xf32, #tpu.memory_space<vmem>>, vector<1x1xf32>
      %add3A_125 = vector.broadcast %get3A_124 : vector<1x1xf32> to vector<1x978xf32>
      %add3A_126 = arith.addf %add3A_121, %add3A_125 : vector<1x978xf32>
      %swap3A_127 = arith.index_cast %scan3A_64 : i32 to index
      %swap3A_128 = arith.constant 0 : index
      %swap3A_129 = vector.load %arg13[%swap3A_127, %swap3A_128] : memref<128x978xf32, #tpu.memory_space<vmem>>, vector<1x978xf32>
      tpu.vector_store %arg13[%swap3A_127, %swap3A_128], %add3A_126 {strides = array<i32>} : memref<128x978xf32, #tpu.memory_space<vmem>>, vector<1x978xf32>,
      %scan3A_130 = arith.constant 1 : i32
      %scan3A_131 = arith.addi %scan3A_64, %scan3A_130 : i32
      %get3A_132 = arith.constant 0 : index
      %get3A_133 = arith.index_cast %scan3A_131 : i32 to index
      %get3A_134 = memref.load %arg0[%get3A_132, %get3A_133] : memref<2x128xi32, #tpu.memory_space<smem>>
      %get3A_135 = arith.constant 1 : index
      %get3A_136 = arith.index_cast %scan3A_131 : i32 to index
      %get3A_137 = memref.load %arg0[%get3A_135, %get3A_136] : memref<2x128xi32, #tpu.memory_space<smem>>
      %mul3A_138 = arith.constant 128 : i32
      %mul3A_139 = arith.muli %get3A_134, %mul3A_138 : i32
      %multiple_of3A_140 = tpu.assume_multiple %mul3A_139, 128 : i32
      %mul3A_141 = arith.constant 128 : i32
      %mul3A_142 = arith.muli %get3A_137, %mul3A_141 : i32
      %multiple_of3A_143 = tpu.assume_multiple %mul3A_142, 128 : i32
      %sub3A_144 = arith.constant 128 : i32
      %sub3A_145 = arith.subi %sub3A_144, %scan3A_131 : i32
      %get3A_146 = arith.index_cast %multiple_of3A_140 : i32 to index
      %get3A_147 = arith.constant 0 : index
      %get3A_148 = vector.load %arg14[%get3A_146, %get3A_147] : memref<512x128xf32, #tpu.memory_space<vmem>>, vector<128x128xf32>
      %roll3A_149 = tpu.dynamic_rotate %get3A_148 by %sub3A_145 dim 1 : vector<128x128xf32>, i32 -> vector<128x128xf32>
      %slice3A_150 = vector.extract_strided_slice %roll3A_149 {offsets = [0, 0], sizes = [128, 1], strides = [1, 1]} : vector<128x128xf32> to vector<128x1xf32>
      %convert_element_type3A_151 = arith.truncf %slice3A_150 : vector<128x1xf32> to vector<128x1xbf16>
      %get3A_152 = arith.index_cast %multiple_of3A_143 : i32 to index
      %get3A_153 = arith.constant 0 : index
      %get3A_154 = vector.load %arg14[%get3A_152, %get3A_153] : memref<512x128xf32, #tpu.memory_space<vmem>>, vector<128x128xf32>
      %roll3A_155 = tpu.dynamic_rotate %get3A_154 by %sub3A_145 dim 1 : vector<128x128xf32>, i32 -> vector<128x128xf32>
      %slice3A_156 = vector.extract_strided_slice %roll3A_155 {offsets = [0, 0], sizes = [128, 1], strides = [1, 1]} : vector<128x128xf32> to vector<128x1xf32>
      %convert_element_type3A_157 = arith.truncf %slice3A_156 : vector<128x1xf32> to vector<128x1xbf16>
      %get3A_158 = arith.index_cast %multiple_of3A_140 : i32 to index
      %get3A_159 = arith.constant 0 : index
      %get3A_160 = vector.load %arg15[%get3A_158, %get3A_159] : memref<512x978xbf16, #tpu.memory_space<vmem>>, vector<128x978xbf16>
      %add3A_161 = vector.broadcast %convert_element_type3A_151 : vector<128x1xbf16> to vector<128x978xbf16>
      %add3A_162 = arith.addf %get3A_160, %add3A_161 : vector<128x978xbf16>
      %max3A_163 = arith.constant 0.000000e+00 : bf16
      %max3A_164 = vector.broadcast %max3A_163 : bf16 to vector<128x978xbf16>
      %max3A_165 = arith.maximumf %add3A_162, %max3A_164 : vector<128x978xbf16>
      %get3A_166 = arith.index_cast %multiple_of3A_143 : i32 to index
      %get3A_167 = arith.constant 0 : index
      %get3A_168 = vector.load %arg15[%get3A_166, %get3A_167] : memref<512x978xbf16, #tpu.memory_space<vmem>>, vector<128x978xbf16>
      %add3A_169 = vector.broadcast %convert_element_type3A_157 : vector<128x1xbf16> to vector<128x978xbf16>
      %add3A_170 = arith.addf %get3A_168, %add3A_169 : vector<128x978xbf16>
      %max3A_171 = arith.constant 0.000000e+00 : bf16
      %max3A_172 = vector.broadcast %max3A_171 : bf16 to vector<128x978xbf16>
      %max3A_173 = arith.maximumf %add3A_170, %max3A_172 : vector<128x978xbf16>
      %get3A_174 = arith.index_cast %scan3A_131 : i32 to index
      %get3A_175 = arith.constant 0 : index
      %get3A_176 = vector.load %arg16[%get3A_174, %get3A_175] : memref<128x512xf32, #tpu.memory_space<vmem>>, vector<1x512xf32>
      %convert_element_type3A_177 = arith.truncf %get3A_176 : vector<1x512xf32> to vector<1x512xbf16>
      %mul3A_178 = arith.constant 128 : i32
      %mul3A_179 = arith.muli %get3A_134, %mul3A_178 : i32
      %sub3A_180 = arith.constant 512 : i32
      %sub3A_181 = arith.subi %sub3A_180, %mul3A_179 : i32
      %roll3A_182 = tpu.dynamic_rotate %convert_element_type3A_177 by %sub3A_181 dim 1 : vector<1x512xbf16>, i32 -> vector<1x512xbf16>
      %slice3A_183 = vector.extract_strided_slice %roll3A_182 {offsets = [0, 0], sizes = [1, 128], strides = [1, 1]} : vector<1x512xbf16> to vector<1x128xbf16>
      %mul3A_184 = arith.constant 128 : i32
      %mul3A_185 = arith.muli %get3A_137, %mul3A_184 : i32
      %sub3A_186 = arith.constant 512 : i32
      %sub3A_187 = arith.subi %sub3A_186, %mul3A_185 : i32
      %roll3A_188 = tpu.dynamic_rotate %convert_element_type3A_177 by %sub3A_187 dim 1 : vector<1x512xbf16>, i32 -> vector<1x512xbf16>
      %slice3A_189 = vector.extract_strided_slice %roll3A_188 {offsets = [0, 0], sizes = [1, 128], strides = [1, 1]} : vector<1x512xbf16> to vector<1x128xbf16>
      %dot_general3A_190 = arith.constant dense<0.000000e+00> : vector<1x978xf32>
      %dot_general3A_191 = tpu.matmul %slice3A_183, %max3A_165, %dot_general3A_190 {dimension_numbers = #tpu.dot_dimension_numbers<[1], [0], [0], [1], [0, 0, 1, 1], [], []>, transpose_lhs_hint = false} : vector<1x128xbf16>, vector<128x978xbf16>, vector<1x978xf32> -> vector<1x978xf32>
      %dot_general3A_192 = arith.constant dense<0.000000e+00> : vector<1x978xf32>
      %dot_general3A_193 = tpu.matmul %slice3A_189, %max3A_173, %dot_general3A_192 {dimension_numbers = #tpu.dot_dimension_numbers<[1], [0], [0], [1], [0, 0, 1, 1], [], []>, transpose_lhs_hint = false} : vector<1x128xbf16>, vector<128x978xbf16>, vector<1x978xf32> -> vector<1x978xf32>
      %add3A_194 = arith.addf %dot_general3A_191, %dot_general3A_193 : vector<1x978xf32>
      %get3A_195 = arith.index_cast %scan3A_131 : i32 to index
      %get3A_196 = arith.constant 0 : index
      %get3A_197 = vector.load %arg17[%get3A_195, %get3A_196] : memref<128x1xf32, #tpu.memory_space<vmem>>, vector<1x1xf32>
      %add3A_198 = vector.broadcast %get3A_197 : vector<1x1xf32> to vector<1x978xf32>
      %add3A_199 = arith.addf %add3A_194, %add3A_198 : vector<1x978xf32>
      %swap3A_200 = arith.index_cast %scan3A_131 : i32 to index
      %swap3A_201 = arith.constant 0 : index
      %swap3A_202 = vector.load %arg13[%swap3A_200, %swap3A_201] : memref<128x978xf32, #tpu.memory_space<vmem>>, vector<1x978xf32>
      tpu.vector_store %arg13[%swap3A_200, %swap3A_201], %add3A_199 {strides = array<i32>} : memref<128x978xf32, #tpu.memory_space<vmem>>, vector<1x978xf32>,
    }
    %scan3A_63 = arith.constant 128 : i32
    return
  }
}

</mosaic_0001>

<sc_bundles>
// kernel: kernel.5.cloned.1.call-start
scs
__scs_entry_jumppad:
0x0: {  	(pc) =	sbr.rel $0x88, $3  }
0x1: {  	(tag) =	ssettag $0x0;
	lr =	simm.s32 $0x1  }
0x2: {  	[smem:$0x3F8B] =	sst lr;
	_ =	strace $0xD0000000  }
0x3: {  	_ = 	snop  }
0x4: {  	_ = 	snop  }
0x5: {  	_ = 	snop  }
0x6: {  	_ = 	snop  }
0x7: {  	_ = 	snop  }
__scs_overlays_trampoline_lowered:
0x8: {  	[smem:$0x3F9A] =	sst s0  }
0x9: {  	[smem:$0x3F9B] =	sst s1  }
0xa: {  	[smem:$0x3F9C] =	sst s2  }
0xb: {  	[smem:$0x3F9D] =	sst s3  }
0xc: {  	[smem:$0x3F9E] =	sst s4  }
0xd: {  	[smem:$0x3F9F] =	sst s5  }
0xe: {  	[smem:$0x3FA0] =	sst s6  }
0xf: {  	[smem:$0x3FA1] =	sst s7  }
0x10: {  	[smem:$0x3FA2] =	sst s8  }
0x11: {  	[smem:$0x3FA3] =	sst s9;
	s0 =	simm.s32 @!p0 $0x0  }
0x12: {  	s1 =	sld [smem:$0x3F89];
	s0 =	simm.s32 @p0 $0x1  }
0x13: {  	[smem:$0x3FA4] =	sst s0;
	s0 =	simm.s32 @!p1 $0x0  }
0x14: {  	s2 =	sld [smem:$0x3F88];
	s0 =	simm.s32 @p1 $0x1  }
0x15: {  	[smem:$0x3FA5] =	sst s0;
	s0 =	simm.s32 @!p2 $0x0  }
0x16: {  	s3 =	sld [smem:$0x3FDB];
	s0 =	simm.s32 @p2 $0x1  }
0x17: {  	s4 =	simm.s32 $0x1BF5;
	[smem:$0x3FA7] =	sst s0  }
0x18: {  	s0 =	sld [smem:$0x3F8A];
	_ =	swait.ge [sflag:s4], $0x0  }
0x19: {  	s7 =	sld [smem:$0x3F8B]  }
0x1a: {  	s8 =	sadd.s32 $0xFFFFE003, lr  }
0x1b: {  	s9 =	sadd.s32 $0xFFFFFEF7, lr;
	s5 =	simm.s32 $0xFFFFFFFF;
	p2 =	slt.u32 s8, $0xFFFFF086  }
0x1c: {  	p1 =	slt.u32 s9, $0xF7A;
	s5 =	simm.s32 @!p2 $0x0  }
0x1d: {  	s5 =	simm.s32 @p1 $0x1;
	p0 =	seq.s32 s7, s2  }
0x1e: {  	s7 =	smul.u32 @!p0 $0xF7A, s2;
	p2 =	seq.s32 @!p0 s5, $0x0  }
0x1f: {  	s9 =	smul.u32 $0xF7A, s1;
	s8 =	simm.s32 @!p0 $0x1BF5;
	p2 =	por !p2, p0  }
0x20: {  	[sflag:s8] =	ssyncset.s32 @!p0 $0xFFFFF086;
	s6 =	sadd.s32 @!p0 s3, s7;
	s7 =	simm.s32 @!p0 $0x108  }
0x21: {  	s3 =	sadd.s32 s3, s9;
	s6 =	sadd.s32 @!p0 $0x88, s6;
	s7 =	simm.s32 @p2 $0x1082  }
0x22: {  	[simem:s7], [sflag:s8] =	dma.local @!p0 [hbm:s6], $0xF7A  }
0x23: {  	s9 =	sor.u32 $0xD0000000, s2;
	s6 =	simm.s32 $0x108;
	_ =	swait.ge @!p0 [sflag:s8], $0x0  }
0x24: {  	s3 =	sadd.s32 $0x88, s3;
	s6 =	simm.s32 @!p1 $0x1082;
	[sflag:s4] =	ssyncset.s32 $0xFFFFF086  }
0x25: {  	[simem:s6], [sflag:s4] =	dma.local [hbm:s3], $0xF7A  }
0x26: {  	[smem:$0x3F8B] =	sst s1;
	(tag) =	ssettag s2;
	_ =	strace s9  }
0x27: {  	s1 =	sld [smem:$0x3F9B]  }
0x28: {  	s2 =	sld [smem:$0x3F9C]  }
0x29: {  	s4 =	sld [smem:$0x3F9E]  }
0x2a: {  	p0 =	seq.s32 s5, $0x0;
	s5 =	sld [smem:$0x3F9F]  }
0x2b: {  	s6 =	sld [smem:$0x3FA0]  }
0x2c: {  	s7 =	sld [smem:$0x3FA1]  }
0x2d: {  	s3 =	simm.s32 $0x108;
	s8 =	sld [smem:$0x3FA2]  }
0x2e: {  	s3 =	simm.s32 @!p0 $0x1082;
	s9 =	sld [smem:$0x3FA3]  }
0x2f: {  	lr =	sadd.s32 s0, s3;
	s0 =	sld [smem:$0x3F9A]  }
0x30: {  	s3 =	sld [smem:$0x3F9D]  }
0x31: {  	[smem:$0x3FA6] =	sst s10  }
0x32: {  	s10 =	sld [smem:$0x3FA4];
	_ =	sdelay $0x3  }
0x33: {  	p0 =	seq.s32 s10, $0x1;
	s10 =	sld [smem:$0x3FA6];
	_ =	sdelay $0x3  }
0x34: {  	[smem:$0x3FA6] =	sst s10  }
0x35: {  	s10 =	sld [smem:$0x3FA5];
	_ =	sdelay $0x3  }
0x36: {  	p1 =	seq.s32 s10, $0x1;
	s10 =	sld [smem:$0x3FA6];
	_ =	sdelay $0x3  }
0x37: {  	[smem:$0x3FA6] =	sst s10  }
0x38: {  	s10 =	sld [smem:$0x3FA7]  }
0x39: {  	_ = 	snop;
	(pc) =	sbr.ind lr, $3  }
0x3a: {  	_ = 	snop  }
0x3b: {  	_ = 	snop  }
0x3c: {  	p2 =	seq.s32 s10, $0x1;
	s10 =	sld [smem:$0x3FA6]  }
0x3d: {  	_ =	shalt  }
0x3e: {  	_ =	shalt  }
0x3f: {  	_ =	shalt  }
0x40: {  	_ =	shalt  }
0x41: {  	_ =	shalt  }
0x42: {  	_ =	shalt  }
0x43: {  	_ =	shalt  }
0x44: {  	_ =	shalt  }
0x45: {  	_ =	shalt  }
0x46: {  	_ =	shalt  }
0x47: {  	_ =	shalt  }
0x48: {  	_ =	shalt  }
0x49: {  	_ =	shalt  }
0x4a: {  	_ =	shalt  }
0x4b: {  	_ =	shalt  }
0x4c: {  	_ =	shalt  }
0x4d: {  	_ =	shalt  }
0x4e: {  	_ =	shalt  }
0x4f: {  	_ =	shalt  }
0x50: {  	_ =	shalt  }
0x51: {  	_ =	shalt  }
0x52: {  	_ =	shalt  }
0x53: {  	_ =	shalt  }
0x54: {  	_ =	shalt  }
0x55: {  	_ =	shalt  }
0x56: {  	_ =	shalt  }
0x57: {  	_ =	shalt  }
0x58: {  	_ =	shalt  }
0x59: {  	_ =	shalt  }
0x5a: {  	_ =	shalt  }
0x5b: {  	_ =	shalt  }
0x5c: {  	_ =	shalt  }
0x5d: {  	_ =	shalt  }
0x5e: {  	_ =	shalt  }
0x5f: {  	_ =	shalt  }
0x60: {  	_ =	shalt  }
0x61: {  	_ =	shalt  }
0x62: {  	_ =	shalt  }
0x63: {  	_ =	shalt  }
0x64: {  	_ =	shalt  }
0x65: {  	_ =	shalt  }
0x66: {  	_ =	shalt  }
0x67: {  	_ =	shalt  }
0x68: {  	_ =	shalt  }
0x69: {  	_ =	shalt  }
0x6a: {  	_ =	shalt  }
0x6b: {  	_ =	shalt  }
0x6c: {  	_ =	shalt  }
0x6d: {  	_ =	shalt  }
0x6e: {  	_ =	shalt  }
0x6f: {  	_ =	shalt  }
0x70: {  	_ =	shalt  }
0x71: {  	_ =	shalt  }
0x72: {  	_ =	shalt  }
0x73: {  	_ =	shalt  }
0x74: {  	_ =	shalt  }
0x75: {  	_ =	shalt  }
0x76: {  	_ =	shalt  }
0x77: {  	_ =	shalt  }
0x78: {  	_ =	shalt  }
0x79: {  	_ =	shalt  }
0x7a: {  	_ =	shalt  }
0x7b: {  	_ =	shalt  }
0x7c: {  	_ =	shalt  }
0x7d: {  	_ =	shalt  }
0x7e: {  	_ =	shalt  }
0x7f: {  	_ =	shalt  }
0x80: {  	_ =	shalt  }
0x81: {  	_ =	shalt  }
0x82: {  	_ =	shalt  }
0x83: {  	_ =	shalt  }
0x84: {  	_ =	shalt  }
0x85: {  	_ =	shalt  }
0x86: {  	_ =	shalt  }
0x87: {  	_ =	shalt  }
.Lfunc_end0:
.L_simem_size_0:
called_computation_lowered:
.L_overlay_start_0:
0x88: {  	s2 =	sld [smem:$0x3FD9]  }
0x89: {  	s3 =	sld [smem:$0x3FFE];
	_ =	sdelay $0x1  }
0x8a: {  	s1 =	srdreg.scid  }
0x8b: {  	s0 =	sand.u32 $0x1, s1  }
0x8c: {  	s14 =	sshll.u32 s0, $0xA;
	s2 =	sadd.s32 s3, s2  }
0x8d: {  	s2 =	sadd.s32 s2, s14  }
0x8e: {  	[smem:$0x3FB2] =	sst s2  }
0x8f: {  	_ = 	snop  }
0x90: {  	s2 =	sld [smem:$0x3FD0];
	_ =	sdelay $0x2  }
0x91: {  	s15 =	simm.s32 $0xA;
	s4 =	simm.s32 $0x10  }
0x92: {  	[smem:s4], [sflag:s15] =	dma.local [hbm:s2], $0x1  }
0x93: {  	_ =	swait.eq [sflag:s15], $0x1  }
0x94: {  	[sflag:s15] =	ssyncset.done $0x0  }
0x95: {  	[sflag:s15] =	ssyncadd.s32 $0xFFFFFFFF  }
0x96: {  	s16 =	sld [smem:$0x10];
	(tm) =	ssettm $0x1  }
0x97: {  	s17 =	sld [smem:$0x3FFB];
	_ =	sdelay $0x3  }
0x98: {  	_ =	strace s17  }
0x99: {  	s3 =	sld [smem:$0x3FFC];
	_ =	sdelay $0x3  }
0x9a: {  	_ =	strace s3  }
0x9b: {  	s3 =	sld [smem:$0x3FFD];
	_ =	sdelay $0x3  }
0x9c: {  	_ =	strace s3  }
0x9d: {  	_ =	strace $0x8FFFFFFF  }
0x9e: {  	s18 =	sld [smem:$0x3FDB];
	_ =	sdelay $0x1  }
0x9f: {  	s19 =	simm.s32 $_scs_section_size  }
0xa0: {  	s5 =	simm.s32 $_size__tile_overlayer_lowered;
	s6 =	simm.s32 $_tile_overlayer_lowered  }
0xa1: {  	s22 =	simm.s32 $0x1BFF;
	s21 =	sshll.u32 s6, $0x1;
	s3 =	sadd.s32 s19, s18  }
0xa2: {  	s7 =	simm.s32 $0x0;
	s20 =	sshll.u32 s5, $0x1;
	s5 =	sadd.s32 s21, s3  }
0xa3: {  	[timem:s7], [sflag:s22] =	dma.local [hbm:s5], s20  }
0xa4: {  	_ =	swait.ge [sflag:s22], s20  }
0xa5: {  	s4 =	ssub.s32 $0x0, s20;
	[sflag:s22] =	ssyncset.done $0x0  }
0xa6: {  	[sflag:s22] =	ssyncadd.s32 s4;
	_ =	sdelay $0x1  }
0xa7: {  	s23 =	simm.s32 $0x1B8B  }
0xa8: {  	_ =	swait.ge [sflag:s23], $0x1  }
0xa9: {  	[sflag:s23] =	ssyncset.done $0x0  }
0xaa: {  	s25 =	simm.s32 $0x1B8E;
	s24 =	sld [smem:$0x3FFE];
	[sflag:s23] =	ssyncadd.s32 $0xFFFFFFFF  }
0xab: {  	s26 =	simm.s32 $execute0_lowered;
	[smem:$0x3FD2] =	sst s25  }
0xac: {  	s5 =	sshll.u32 s26, $0x1;
	_ =	strace $0x80000046;
	[dreg:$0x1] =	wrdreg $0xFFFFFFFF  }
0xad: {  	s28 =	simm.s32 $_size_execute0_lowered;
	s3 =	sadd.s32 s3, s5;
	[dreg:$0x0] =	wrdreg $0x0  }
0xae: {  	s5 =	sshll.u32 s28, $0x1;
	[dreg:$0x2] =	wrdreg s3  }
0xaf: {  	[dreg:$0x3] =	wrdreg s5  }
0xb0: {  	[dreg:$0x4] =	wrdreg $0xC0  }
0xb1: {  	_ =	task [dreg:s7], $0x5FFFF  }
0xb2: {  	[dreg:$0x1] =	wrdreg $0xFFFFFFFF  }
0xb3: {  	[dreg:$0x0] =	wrdreg $0x60  }
0xb4: {  	[dreg:$0x2] =	wrdreg s16  }
0xb5: {  	[dreg:$0x3] =	wrdreg s24  }
0xb6: {  	[dreg:$0x4] =	wrdreg $0x9  }
0xb7: {  	_ =	task.clear_ibuf [dreg:s7], $0x5FFFF;
	_ =	strace $0x90000046  }
0xb8: {  	s29 =	simm.s32 $0x9;
	_ =	strace $0x80000048  }
0xb9: {  	_ =	swait.ge [sflag:s29], $0x1  }
0xba: {  	[sflag:s29] =	ssyncadd.s32 $0xFFFFFFFF  }
0xbb: {  	_ =	strace $0x90000048  }
0xbc: {  	_ =	sfence  }
0xbd: {  	s30 =	sld [smem:$0x0];
	_ =	sdelay $0x2  }
0xbe: {  	s31 =	sshll.u32 s1, $0xD;
	s1 =	sshrl.u32 s1, $0x2  }
0xbf: {  	s3 =	sand.u32 $0x4000, s31;
	s1 =	sadd.s32 s1, s30  }
0xc0: {  	s0 =	sor.u32 s3, s0;
	s1 =	sshll.u32 s1, $0x11  }
0xc1: {  	s0 =	sor.u32 s1, s0  }
0xc2: {  	s0 =	sadd.s32 $0x8F2B, s0  }
0xc3: {  	[sflag:s0] =	ssyncadd.remote.s32 $0x1  }
0xc4: {  	_ =	sfence.sel $0xFFFF  }
0xc5: {  	[dreg:$0x0] =	wrdreg $0xFFFFFFFF;
	(pc) =	sbr.abs _section_cstart, $3  }
0xc6: {  	[dreg:$0x1] =	wrdreg $0xFFFFFFFF  }
0xc7: {  	_ =	task.clear_ibuf [dreg:s7], $0x2FFFF;
	_ =	strace $0x9FFFFFFF  }
0xc8: {  	(tm) =	ssettm $0x7FFFFFFF  }
0xc9: {  	_ =	shalt  }
tec
execute0_lowered:
.L_overlay_start_1:
0x0: {  	(tag) =	ssettag $0x1  }
0x1: {  	s0 =	srdreg.scid  }
0x2: {  	s3 =	sand.u32 $0x1, s0;
	s0 =	stileid.u32  }
0x3: {  	s5 =	sor.u32 s0, s3  }
0x4: {  	p0 =	sne.s32 s5, $0x0  }
.Ltmp0:
0x5: {  	_ = 	snop;
	(pc) =	sbr.rel @p0 .LBB2_3-.Ltmp0, $4  }
0x6: {  	_ = 	snop  }
0x7: {  	s2 =	rddreg [dreg:$0x0]  }
0x8: {  	s4 =	rddreg [dreg:$0x1]  }
0x9: {  	s1 =	rddreg [dreg:$0x2];
	_ =	strace $0x80000047  }
0xa: {  	s5 =	ssub.s32 $0x2, s3;
	s3 =	sadd.s32 $0x4400, s4;
	s4 =	sadd.s32 $0x4600, s4  }
0xb: {  	s7 =	simm.s32 $0x1;
	s8 =	simm.s32 $0x200;
	s6 =	sshrl.u32 s5, $0x1  }
0xc: {  	v0 =	vimm.s32 $0x3;
	s9 =	simm.s32 $0x400;
	s5 =	ssub.s32 s5, s6;
	s6 =	simm.s32 $0x0  }
.LBB2_2:
0xd: {  	[tilespmem:s6], [sflag:$0x1] =	stream.linear.gather [hbm4b:s2+s6], $0x200, $0x38;
	[tilespmem:$0x500] =	vst v63  }
0xe: {  	_ =	swait.ge [sflag:s7], $0x200  }
0xf: {  	[sflag:s7] =	ssyncset.done $0x0  }
0x10: {  	[sflag:s7] =	ssyncadd.s32 $0xFFFFFE00  }
0x11: {  	v2 =	vld [tilespmem:$0x0]  }
0x12: {  	v3 =	vld [tilespmem:$0x80]  }
0x13: {  	v4 =	vld [tilespmem:$0x100]  }
0x14: {  	v5 =	vld [tilespmem:$0x180];
	_ =	sdelay $0x4  }
0x15: {  	v1 =	vmax.f32 v2, v3;
	v6 =	vmax.f32 v4, v5  }
0x16: {  	v6 =	vmax.f32 v1, v6  }
0x17: {  	vm0 =	veq.f32 v4, v6  }
0x18: {  	vm1 =	veq.f32 v3, v6;
	v1 =	vsel vm0, $0x2, v0  }
0x19: {  	vm7 =	vne.f32 v2, v6;
	v1 =	vsel vm1, $0x1, v1  }
0x1a: {  	v7 =	vnsel vm7, $0xF149F2CA, v2;
	v1 =	vnsel vm7, $0x0, v1  }
0x1b: {  	v8 =	vld [tilespmem:$0x10];
	vm9 =	vmand vm7, vm1;
	vm6 =	veq.s32 v1, $0x2;
	vm3 =	veq.s32 v1, $0x3  }
0x1c: {  	v56 =	vld [tilespmem:$0x90];
	v3 =	vsel vm9, $0xF149F2CA, v3;
	v4 =	vsel vm6, $0xF149F2CA, v4;
	v2 =	vsel vm3, $0xF149F2CA, v5  }
0x1d: {  	v10 =	vld [tilespmem:$0x110];
	v9 =	vmax.f32 v7, v3;
	v2 =	vmax.f32 v4, v2  }
0x1e: {  	v11 =	vld [tilespmem:$0x190];
	v9 =	vmax.f32 v9, v2  }
0x1f: {  	v2 =	vsub.f32 v9, v6;
	_ =	sdelay $0x1  }
0x20: {  	v2 =	vmul.f32 $1.442695020e+00, v2;
	_ =	sdelay $0x1  }
0x21: {  	v57 =	vmax.f32 v10, v11;
	(erf) = vpow2.f32 v2;
	v2 =	vmax.f32 v8, v56  }
0x22: {  	v6 =	vmax.f32 v2, v57  }
0x23: {  	v12 =	vld [tilespmem:$0x20];
	vm13 =	veq.f32 v10, v6  }
0x24: {  	v13 =	vld [tilespmem:$0xA0];
	vm2 =	veq.f32 v56, v6;
	v2 =	vsel vm13, $0x2, v0  }
0x25: {  	v14 =	vld [tilespmem:$0x120];
	vm1 =	vne.f32 v8, v6;
	v2 =	vsel vm2, $0x1, v2  }
0x26: {  	v16 =	vld [tilespmem:$0x1A0];
	v8 =	vnsel vm1, $0xF149F2CA, v8;
	v2 =	vnsel vm1, $0x0, v2  }
0x27: {  	vm8 =	vmand vm1, vm2;
	vm0 =	veq.s32 v2, $0x2;
	vm2 =	veq.s32 v2, $0x3  }
0x28: {  	v63 =	vld [tilespmem:$0x30];
	v5 =	vsel vm8, $0xF149F2CA, v56;
	v10 =	vsel vm0, $0xF149F2CA, v10;
	v11 =	vsel vm2, $0xF149F2CA, v11  }
0x29: {  	v19 =	vld [tilespmem:$0xB0];
	v15 =	vmax.f32 v8, v5;
	v11 =	vmax.f32 v10, v11  }
0x2a: {  	v32 =	vld [tilespmem:$0x130];
	v11 =	vmax.f32 v15, v11  }
0x2b: {  	v36 =	vld [tilespmem:$0x1B0];
	v59 =	vmax.f32 v12, v13;
	v18 =	vmax.f32 v14, v16;
	v17 =	vpop (erf);
	v6 =	vsub.f32 v11, v6  }
0x2c: {  	v60 =	vmax.f32 v59, v18;
	v58 =	vadd.f32 $1.000000000e+00, v17  }
0x2d: {  	vm4 =	veq.f32 v14, v60;
	vm5 =	veq.f32 v13, v60;
	v6 =	vmul.f32 $1.442695020e+00, v6  }
0x2e: {  	v42 =	vld [tilespmem:$0x40];
	v61 =	vsel vm4, $0x2, v0;
	vm4 =	vne.f32 v12, v60;
	(erf) = vrcp.f32 v58  }
0x2f: {  	v25 =	vld [tilespmem:$0xC0];
	vm12 =	veq.f32 v3, v9;
	v3 =	vsel vm5, $0x1, v61;
	(erf) = vpow2.f32 v6  }
0x30: {  	v44 =	vld [tilespmem:$0x140];
	v39 =	vmax.f32 v63, v19;
	v40 =	vmax.f32 v32, v36;
	v3 =	vnsel vm4, $0x0, v3  }
0x31: {  	v53 =	vld [tilespmem:$0x50];
	vm11 =	veq.s32 v3, $0x2;
	vm13 =	vmand vm4, vm5;
	vm5 =	veq.s32 v3, $0x3  }
0x32: {  	v62 =	vnsel vm4, $0xF149F2CA, v12;
	v20 =	vsel vm11, $0xF149F2CA, v14;
	v31 =	vsel vm5, $0xF149F2CA, v16;
	v56 =	vld [tilespmem:$0x150]  }
0x33: {  	vm14 =	veq.f32 v4, v9;
	v13 =	vsel vm13, $0xF149F2CA, v13;
	v4 =	vmax.f32 v20, v31;
	v31 =	vld [tilespmem:$0x1C0]  }
0x34: {  	v33 =	vsel vm14, $0x2, v0;
	v35 =	vmax.f32 v62, v13;
	v6 =	vmax.f32 v39, v40;
	v39 =	vld [tilespmem:$0xD0]  }
0x35: {  	vm10 =	vne.f32 v7, v9;
	v7 =	vsel vm12, $0x1, v33;
	v21 =	vmax.f32 v35, v4;
	v40 =	vld [tilespmem:$0x1D0]  }
0x36: {  	v54 =	vimm.s32 $0x0;
	v7 =	vnsel vm10, $0x0, v7;
	v4 =	vsub.f32 v21, v60  }
0x37: {  	v50 =	vmax.f32 v42, v25;
	vm14 =	vmand vm10, vm12;
	vm12 =	veq.s32 v7, $0x2;
	v34 =	vpop (erf)  }
0x38: {  	v4 =	vmul.f32 $1.442695020e+00, v4;
	v51 =	vmax.f32 v44, v31;
	vm15 =	veq.f32 v32, v6;
	v22 =	vpop (erf)  }
0x39: {  	v41 =	vsel vm15, $0x2, v0;
	vm15 =	vne.f32 v63, v6;
	v23 =	vadd.f32 $1.000000000e+00, v22  }
0x3a: {  	v15 =	vnsel vm15, $0xF149F2CA, v63;
	v60 =	vmax.f32 v53, v39;
	v61 =	vmax.f32 v56, v40  }
0x3b: {  	v17 =	vmul.f32 v34, v17;
	v37 =	vsel vm7, $0x0, v34;
	(erf) = vrcp.f32 v23  }
0x3c: {  	v24 =	vnsel vm9, $0x0, v34;
	vm9 =	veq.f32 v19, v6;
	(erf) = vpow2.f32 v4  }
0x3d: {  	v27 =	vnsel vm6, $0x0, v34;
	v29 =	vnsel vm3, $0x0, v34;
	vm7 =	vmand vm15, vm9  }
0x3e: {  	v38 =	vsel vm10, $0x0, v17;
	v26 =	vnsel vm14, $0x0, v17;
	v28 =	vnsel vm12, $0x0, v17  }
0x3f: {  	v19 =	vsel vm7, $0xF149F2CA, v19;
	vm14 =	veq.s32 v7, $0x3;
	v4 =	vsel vm9, $0x1, v41  }
0x40: {  	vm12 =	veq.f32 v10, v11;
	v9 =	vadd.f32 v38, v37;
	v4 =	vnsel vm15, $0x0, v4  }
0x41: {  	v45 =	vmax.f32 v15, v19;
	vm6 =	veq.s32 v4, $0x2;
	vm3 =	veq.s32 v4, $0x3  }
0x42: {  	v47 =	vsel vm12, $0x2, v0;
	v30 =	vsel vm6, $0xF149F2CA, v32;
	v43 =	vsel vm3, $0xF149F2CA, v36  }
0x43: {  	vm12 =	vne.f32 v8, v11;
	v26 =	vadd.f32 v26, v24;
	v14 =	vmax.f32 v30, v43  }
0x44: {  	v32 =	vnsel vm14, $0x0, v17;
	vm14 =	veq.f32 v5, v11;
	v23 =	vmax.f32 v45, v14;
	v46 =	vpop (erf)  }
0x45: {  	v27 =	vadd.f32 v28, v27;
	v5 =	vsel vm14, $0x1, v47;
	v6 =	vsub.f32 v23, v6;
	v33 =	vpop (erf)  }
0x46: {  	vm14 =	vmand vm12, vm14;
	v28 =	vadd.f32 v32, v29;
	v48 =	vadd.f32 $1.000000000e+00, v33  }
0x47: {  	v10 =	vnsel vm12, $0x0, v5;
	v49 =	vmul.f32 $1.442695020e+00, v6;
	v6 =	vmax.f32 v50, v51  }
0x48: {  	v22 =	vmul.f32 v46, v22;
	v34 =	vsel vm1, $0x0, v46;
	(erf) = vrcp.f32 v48  }
0x49: {  	v36 =	vnsel vm8, $0x0, v46;
	vm1 =	veq.f32 v44, v6;
	(erf) = vpow2.f32 v49  }
0x4a: {  	v52 =	vsel vm1, $0x2, v0;
	v35 =	vsel vm12, $0x0, v22;
	vm12 =	veq.f32 v25, v6  }
0x4b: {  	vm9 =	vne.f32 v42, v6;
	v38 =	vnsel vm0, $0x0, v46;
	v5 =	vsel vm12, $0x1, v52  }
0x4c: {  	v43 =	vnsel vm2, $0x0, v46;
	vm2 =	vne.f32 v62, v21;
	v5 =	vnsel vm9, $0x0, v5  }
0x4d: {  	v11 =	vnsel vm9, $0xF149F2CA, v42;
	v37 =	vnsel vm14, $0x0, v22;
	vm14 =	veq.s32 v5, $0x3  }
0x4e: {  	vm12 =	vmand vm9, vm12;
	vm1 =	veq.s32 v5, $0x2;
	v12 =	vsel vm14, $0xFFFFFFFF, v54  }
0x4f: {  	v55 =	vsel vm14, $0xF149F2CA, v31;
	[tilespmem:$0x1FFF0] =	vst v12;
	v12 =	vsel vm12, $0xF149F2CA, v25;
	v25 =	vsel vm1, $0xF149F2CA, v44  }
0x50: {  	v62 =	vmax.f32 v60, v61;
	v57 =	vmax.f32 v11, v12;
	v14 =	vmax.f32 v25, v55  }
0x51: {  	vm0 =	veq.s32 v10, $0x2;
	vm8 =	veq.f32 v56, v62;
	v14 =	vmax.f32 v57, v14;
	v42 =	vpop (erf)  }
0x52: {  	vm10 =	vne.f32 v53, v62;
	v41 =	vnsel vm0, $0x0, v22;
	v6 =	vsub.f32 v14, v6;
	v45 =	vpop (erf)  }
0x53: {  	vm0 =	veq.f32 v20, v21;
	v17 =	vnsel vm10, $0xF149F2CA, v53;
	v58 =	vadd.f32 $1.000000000e+00, v45  }
0x54: {  	v59 =	vsel vm0, $0x2, v0;
	vm0 =	veq.f32 v39, v62;
	v6 =	vmul.f32 $1.442695020e+00, v6  }
0x55: {  	v34 =	vadd.f32 v35, v34;
	v36 =	vadd.f32 v37, v36;
	(erf) = vrcp.f32 v58  }
0x56: {  	v47 =	vld [tilespmem:$0x60];
	vm14 =	veq.s32 v10, $0x3;
	v54 =	vsel vm8, $0x2, v0;
	(erf) = vpow2.f32 v6  }
0x57: {  	v48 =	vld [tilespmem:$0xE0];
	vm8 =	vmand vm10, vm0;
	v44 =	vnsel vm14, $0x0, v22;
	vm14 =	veq.f32 v13, v21  }
0x58: {  	v37 =	vadd.f32 v41, v38;
	v16 =	vsel vm8, $0xF149F2CA, v39;
	v13 =	vsel vm14, $0x1, v59  }
0x59: {  	vm14 =	vmand vm2, vm14;
	v63 =	vmul.f32 v42, v33;
	v6 =	vsel vm0, $0x1, v54  }
0x5a: {  	v13 =	vnsel vm2, $0x0, v13;
	v33 =	vsel vm4, $0x0, v42;
	v6 =	vnsel vm10, $0x0, v6  }
0x5b: {  	v46 =	vsel vm2, $0x0, v63;
	v58 =	vld [tilespmem:$0x1E0];
	vm4 =	veq.s32 v6, $0x2;
	vm2 =	veq.s32 v6, $0x3  }
0x5c: {  	v60 =	vmax.f32 v47, v48;
	v18 =	vsel vm4, $0xF149F2CA, v56;
	v55 =	vsel vm2, $0xF149F2CA, v40;
	v56 =	vld [tilespmem:$0x160]  }
0x5d: {  	v44 =	vadd.f32 v44, v43;
	v57 =	vmax.f32 v17, v16;
	v8 =	vmax.f32 v18, v55  }
0x5e: {  	v32 =	vnsel vm13, $0x0, v42;
	v49 =	vnsel vm11, $0x0, v42;
	v22 =	vmax.f32 v57, v8;
	v29 =	vpop (erf)  }
0x5f: {  	vm13 =	veq.s32 v13, $0x2;
	vm11 =	veq.f32 v30, v23;
	v8 =	vsub.f32 v22, v62;
	v40 =	vpop (erf)  }
0x60: {  	v42 =	vnsel vm5, $0x0, v42;
	v30 =	vsel vm11, $0x2, v0;
	v59 =	vadd.f32 $1.000000000e+00, v40  }
0x61: {  	v39 =	vnsel vm14, $0x0, v63;
	v8 =	vmul.f32 $1.442695020e+00, v8;
	v51 =	vmax.f32 v56, v58  }
0x62: {  	v50 =	vnsel vm13, $0x0, v63;
	v51 =	vmax.f32 v60, v51;
	(erf) = vrcp.f32 v59  }
0x63: {  	vm14 =	veq.s32 v13, $0x3;
	vm5 =	veq.f32 v56, v51;
	(erf) = vpow2.f32 v8  }
0x64: {  	v52 =	vnsel vm14, $0x0, v63;
	vm13 =	veq.f32 v48, v51;
	v61 =	vsel vm5, $0x2, v0  }
0x65: {  	v33 =	vadd.f32 v46, v33;
	vm14 =	vne.f32 v47, v51;
	v8 =	vsel vm13, $0x1, v61  }
0x66: {  	vm0 =	veq.f32 v19, v23;
	v20 =	vnsel vm14, $0xF149F2CA, v47;
	v8 =	vnsel vm14, $0x0, v8  }
0x67: {  	v31 =	vld [tilespmem:$0xF0];
	vm13 =	vmand vm14, vm13;
	vm11 =	veq.s32 v8, $0x2;
	vm5 =	veq.s32 v8, $0x3  }
0x68: {  	v54 =	vld [tilespmem:$0x170];
	v19 =	vsel vm13, $0xF149F2CA, v48;
	v21 =	vsel vm11, $0xF149F2CA, v56;
	v24 =	vsel vm5, $0xF149F2CA, v58  }
0x69: {  	v30 =	vsel vm0, $0x1, v30;
	v47 =	vld [tilespmem:$0x70];
	v48 =	vmax.f32 v20, v19;
	v24 =	vmax.f32 v21, v24  }
0x6a: {  	[tilespmem:$0x410] =	vst v2;
	v32 =	vadd.f32 v39, v32;
	v2 =	vadd.f32 v50, v49;
	v24 =	vmax.f32 v48, v24;
	v48 =	vld [tilespmem:$0x1F0]  }
0x6b: {  	v53 =	vsel vm15, $0x0, v29;
	v45 =	vmul.f32 v29, v45;
	vm15 =	vne.f32 v15, v23;
	v55 =	vpop (erf)  }
0x6c: {  	v57 =	vnsel vm7, $0x0, v29;
	v15 =	vnsel vm15, $0x0, v30;
	v51 =	vsub.f32 v24, v51;
	v30 =	vpop (erf)  }
0x6d: {  	[tilespmem:$0x400] =	vst v1;
	vm0 =	vmand vm15, vm0;
	v23 =	vsel vm15, $0x0, v45;
	v62 =	vadd.f32 $1.000000000e+00, v30  }
0x6e: {  	[tilespmem:$0x420] =	vst v3;
	vm15 =	veq.s32 v15, $0x2;
	v59 =	vnsel vm6, $0x0, v29;
	v63 =	vmul.f32 $1.442695020e+00, v51  }
0x6f: {  	[tilespmem:$0x480] =	vst v7;
	v51 =	vmax.f32 v47, v31;
	v56 =	vmax.f32 v54, v48;
	(erf) = vrcp.f32 v62  }
0x70: {  	[tilespmem:$0x200] =	vst v9;
	v60 =	vnsel vm15, $0x0, v45;
	v9 =	vmax.f32 v51, v56;
	(erf) = vpow2.f32 v63  }
0x71: {  	[tilespmem:$0x280] =	vst v26;
	vm6 =	veq.f32 v25, v14;
	v61 =	vnsel vm3, $0x0, v29;
	vm3 =	veq.f32 v54, v9  }
0x72: {  	[tilespmem:$0x300] =	vst v27;
	v23 =	vadd.f32 v23, v53;
	vm15 =	veq.f32 v31, v9;
	v1 =	vsel vm3, $0x2, v0  }
0x73: {  	[tilespmem:$0x430] =	vst v4;
	v25 =	vsel vm6, $0x2, v0;
	vm7 =	vne.f32 v47, v9;
	v1 =	vsel vm15, $0x1, v1  }
0x74: {  	[tilespmem:$0x380] =	vst v28;
	v58 =	vnsel vm0, $0x0, v45;
	v29 =	vnsel vm7, $0xF149F2CA, v47;
	v1 =	vnsel vm7, $0x0, v1  }
0x75: {  	[tilespmem:$0x490] =	vst v10;
	vm15 =	vmand vm7, vm15;
	vm6 =	veq.s32 v1, $0x2;
	vm3 =	veq.s32 v1, $0x3  }
0x76: {  	[tilespmem:$0x210] =	vst v34;
	v31 =	vsel vm15, $0xF149F2CA, v31;
	v34 =	vsel vm6, $0xF149F2CA, v54;
	v63 =	vsel vm3, $0xF149F2CA, v48  }
0x77: {  	[tilespmem:$0x290] =	vst v36;
	vm0 =	veq.s32 v15, $0x3;
	v43 =	vmax.f32 v29, v31;
	v36 =	vmax.f32 v34, v63  }
0x78: {  	[tilespmem:$0x390] =	vst v44;
	v3 =	vadd.f32 v60, v59;
	v62 =	vnsel vm0, $0x0, v45;
	v36 =	vmax.f32 v43, v36;
	v45 =	vpop (erf)  }
0x79: {  	[tilespmem:$0x320] =	vst v2;
	v2 =	vadd.f32 v58, v57;
	v44 =	vsel vm9, $0x0, v55;
	v9 =	vsub.f32 v36, v9;
	v47 =	vpop (erf)  }
0x7a: {  	[tilespmem:$0x310] =	vst v37;
	v46 =	vnsel vm12, $0x0, v55;
	vm12 =	veq.f32 v12, v14;
	v49 =	vadd.f32 $1.000000000e+00, v47  }
0x7b: {  	[tilespmem:$0x440] =	vst v5;
	v57 =	vld [tilespmem:$0x1FFF0];
	v50 =	vmul.f32 v55, v40;
	vm9 =	veq.f32 v16, v22;
	v9 =	vmul.f32 $1.442695020e+00, v9  }
0x7c: {  	[tilespmem:$0x4A0] =	vst v13;
	v51 =	vsel vm12, $0x1, v25;
	v56 =	vnsel vm1, $0x0, v55;
	(erf) = vrcp.f32 v49  }
0x7d: {  	[tilespmem:$0x220] =	vst v33;
	vm1 =	veq.f32 v18, v22;
	vm0 =	vne.f32 v11, v14;
	(erf) = vpow2.f32 v9  }
0x7e: {  	[tilespmem:$0x2A0] =	vst v32;
	v58 =	vsel vm1, $0x2, v0;
	v53 =	vsel vm0, $0x0, v50;
	v7 =	vadd.f32 v62, v61  }
0x7f: {  	[tilespmem:$0x450] =	vst v6;
	v48 =	vadd.f32 v52, v42;
	v52 =	vnsel vm0, $0x0, v51;
	vm0 =	vmand vm0, vm12  }
0x80: {  	[tilespmem:$0x330] =	vst v3;
	v3 =	vsel vm9, $0x1, v58;
	vm12 =	vnez.u8 v57;
	v54 =	vnsel vm0, $0x0, v50  }
0x81: {  	[tilespmem:$0x4B0] =	vst v15;
	vm0 =	vne.f32 v17, v22;
	v17 =	vnsel vm12, $0x0, v55;
	vm12 =	veq.s32 v52, $0x2  }
0x82: {  	[tilespmem:$0x2B0] =	vst v2;
	v63 =	vadd.f32 v53, v44;
	v2 =	vnsel vm12, $0x0, v50;
	vm12 =	veq.s32 v52, $0x3  }
0x83: {  	[tilespmem:$0x230] =	vst v23;
	v3 =	vnsel vm0, $0x0, v3;
	v10 =	vadd.f32 v54, v46;
	v60 =	vnsel vm12, $0x0, v50  }
0x84: {  	[tilespmem:$0x460] =	vst v8;
	v2 =	vadd.f32 v2, v56;
	vm12 =	veq.s32 v3, $0x3;
	v38 =	vadd.f32 v60, v17  }
0x85: {  	[tilespmem:$0x3B0] =	vst v7;
	v59 =	vmul.f32 v45, v30;
	v61 =	vsel vm10, $0x0, v45;
	v28 =	vnsel vm8, $0x0, v45;
	v32 =	vpop (erf)  }
0x86: {  	v33 =	vnsel vm4, $0x0, v45;
	[tilespmem:$0x340] =	vst v2;
	vm10 =	vne.f32 v20, v24;
	v2 =	vnsel vm2, $0x0, v45;
	v35 =	vpop (erf)  }
0x87: {  	[tilespmem:$0x470] =	vst v1;
	vm4 =	veq.f32 v21, v24;
	vm8 =	veq.f32 v19, v24;
	v40 =	vadd.f32 $1.000000000e+00, v35  }
0x88: {  	[tilespmem:$0x4C0] =	vst v52;
	v42 =	vsel vm4, $0x2, v0;
	v62 =	vsel vm0, $0x0, v59;
	vm0 =	vmand vm0, vm9  }
0x89: {  	[tilespmem:$0x3A0] =	vst v48;
	vm9 =	veq.s32 v3, $0x2;
	v41 =	vnsel vm12, $0x0, v59;
	(erf) = vrcp.f32 v40  }
0x8a: {  	[tilespmem:$0x240] =	vst v63;
	v45 =	vsel vm8, $0x1, v42;
	vm12 =	veq.f32 v31, v36;
	v30 =	vnsel vm0, $0x0, v59  }
0x8b: {  	[tilespmem:$0x4D0] =	vst v3;
	v39 =	vnsel vm9, $0x0, v59;
	v43 =	vadd.f32 v62, v61;
	vm0 =	vmand vm10, vm8  }
0x8c: {  	[tilespmem:$0x2C0] =	vst v10;
	v2 =	vadd.f32 v41, v2;
	v44 =	vadd.f32 v30, v28;
	v11 =	vmul.f32 v32, v47  }
0x8d: {  	[tilespmem:$0x3C0] =	vst v38;
	v4 =	vadd.f32 v39, v33;
	v46 =	vsel vm14, $0x0, v32;
	v47 =	vnsel vm10, $0x0, v45  }
0x8e: {  	[tilespmem:$0x250] =	vst v43;
	v49 =	vnsel vm13, $0x0, v32;
	v51 =	vnsel vm11, $0x0, v32;
	v48 =	vsel vm10, $0x0, v11  }
0x8f: {  	[tilespmem:$0x3D0] =	vst v2;
	vm11 =	veq.f32 v34, v36;
	vm10 =	veq.s32 v47, $0x3;
	v2 =	vadd.f32 v48, v46  }
0x90: {  	[tilespmem:$0x2D0] =	vst v44;
	v3 =	vnsel vm5, $0x0, v32;
	vm13 =	vne.f32 v29, v36;
	v54 =	vnsel vm10, $0x0, v11  }
0x91: {  	v50 =	vnsel vm0, $0x0, v11;
	[tilespmem:$0x260] =	vst v2;
	v2 =	vadd.f32 v54, v3;
	v3 =	vsel vm11, $0x2, v0  }
0x92: {  	[tilespmem:$0x350] =	vst v4;
	vm9 =	veq.s32 v47, $0x2;
	v4 =	vadd.f32 v50, v49;
	v3 =	vsel vm12, $0x1, v3;
	v55 =	vpop (erf)  }
0x93: {  	[tilespmem:$0x4E0] =	vst v47;
	v52 =	vnsel vm9, $0x0, v11;
	v3 =	vnsel vm13, $0x0, v3;
	v56 =	vmul.f32 v55, v35  }
0x94: {  	vm0 =	vmand vm13, vm12;
	v53 =	vadd.f32 v52, v51;
	[tilespmem:$0x2E0] =	vst v4;
	vm14 =	veq.s32 v3, $0x2  }
0x95: {  	[tilespmem:$0x3E0] =	vst v2;
	v57 =	vsel vm7, $0x0, v55;
	v58 =	vnsel vm15, $0x0, v55;
	v2 =	vsel vm13, $0x0, v56  }
0x96: {  	[tilespmem:$0x360] =	vst v53;
	vm15 =	veq.s32 v3, $0x3;
	v59 =	vnsel vm0, $0x0, v56;
	v2 =	vadd.f32 v2, v57  }
0x97: {  	[tilespmem:$0x4F0] =	vst v3;
	v63 =	vnsel vm3, $0x0, v55;
	v4 =	vnsel vm15, $0x0, v56;
	v60 =	vadd.f32 v59, v58  }
0x98: {  	v61 =	vnsel vm6, $0x0, v55;
	v62 =	vnsel vm14, $0x0, v56;
	v4 =	vadd.f32 v4, v63;
	[tilespmem:$0x270] =	vst v2  }
0x99: {  	v2 =	vadd.f32 v62, v61;
	[tilespmem:$0x2F0] =	vst v60  }
0x9a: {  	[tilespmem:$0x3F0] =	vst v4  }
0x9b: {  	[tilespmem:$0x370] =	vst v2  }
0x9c: {  	[hbm4b:s3+s6] =	stream.linear.scatter [tilespmem:s8], [sflag:$0x1], $0x200, $0x38;
	[tilespmem:$0x500] =	vst v63  }
0x9d: {  	_ =	swait.ge [sflag:s7], $0x200  }
0x9e: {  	p0 =	sne.s32 s5, $0x1;
	[sflag:s7] =	ssyncset.done $0x0  }
.Ltmp1:
0x9f: {  	[sflag:s7] =	ssyncadd.s32 $0xFFFFFE00;
	(pc) =	sbr.rel @p0 .LBB2_2-.Ltmp1, $4  }
0xa0: {  	[hbm4b:s4+s6] =	stream.linear.scatter [tilespmem:s9], [sflag:$0x1], $0x100, $0x38;
	[tilespmem:$0x500] =	vst v63  }
0xa1: {  	_ =	swait.ge [sflag:s7], $0x100  }
0xa2: {  	[sflag:s7] =	ssyncset.done $0x0  }
0xa3: {  	s5 =	sadd.s32 $0xFFFFFFFF, s5;
	[sflag:s7] =	ssyncadd.s32 $0xFFFFFF00  }
.LBB2_3:
0xa4: {  	_ =	sfence.sel $0x180000  }
0xa5: {  	[bflag:$0x0] =	sbarrier.arrive $0xFFFF  }
0xa6: {  	p0 =	sne.s32 s0, $0x0;
	_ =	strace $0x90000047  }
0xa7: {  	s0 =	sadd.s32 @!p0 $0x100000, s1;
	[bflag:$0x2] =	sbarrier.arrive $0xFFFF  }
0xa8: {  	[sflag:s0] =	ssyncadd.tile.s32 @!p0 $0x1;
	_ =	shalt  }
.Lfunc_end2:
_tile_overlayer_lowered:
.L_overlay_start_2:
0xa9: {  	(tag) =	ssettag $0x2  }
0xaa: {  	s0 =	rddreg [dreg:$0x0];
	s2 =	stileid.u32  }
0xab: {  	s1 =	rddreg [dreg:$0x1];
	p0 =	sne.s32 s2, $0x0  }
0xac: {  	s3 =	rddreg [dreg:$0x2];
	[bflag:$0x3] =	sbarrier.arrive $0xFFFF;
	s2 =	simm.s32 @!p0 $0x1C01  }
0xad: {  	[timem:s3], [sflag:s2] =	dma.local @!p0 [hbm:s0], s1  }
0xae: {  	s0 =	simm.s32 @!p0 $0x1  }
0xaf: {  	_ =	swait.ge @!p0 [sflag:s0], s1  }
0xb0: {  	s1 =	ssub.s32 @!p0 $0x0, s1;
	[sflag:s0] =	ssyncset.done @!p0 $0x0  }
0xb1: {  	[sflag:s0] =	ssyncadd.s32 @!p0 s1  }
0xb2: {  	[bflag:$0x3] =	sbarrier.arrive $0xFFFF  }
0xb3: {  	_ =	shalt  }

</sc_bundles>
